<compile_context>
chip_gen: v7x
topology: tpu7x:2x2x1
jax: 0.10.2.dev20260603
libtpu: 0.0.44.dev20260713+nightly
codegen_flags: <defaults>
</compile_context>

<pallas_src>
import functools
import jax
import jax.numpy as jnp
from jax import lax
from jax.experimental import pallas as pl
from jax.experimental.pallas import tpu as pltpu
from jax.experimental.pallas import tpu_sc as plsc

NC = 2
NS = 16
NBUF = 4
PRIME = 2


def _sc_broadcast(W_pos, nbatch, seq_len, d_model):
    nw = NC * NS
    rows_per_w = seq_len // nw
    R = 8
    nchunks = rows_per_w // R
    mesh = plsc.VectorSubcoreMesh(core_axis_name="c", subcore_axis_name="s")

    @functools.partial(
        pl.kernel,
        mesh=mesh,
        out_type=jax.ShapeDtypeStruct((nbatch * seq_len, d_model), W_pos.dtype),
        scratch_types=[
            pltpu.VMEM((NBUF, R, d_model), jnp.float32),
            pltpu.SemaphoreType.DMA((NBUF,)),
            pltpu.SemaphoreType.DMA((NBUF,)),
        ],
    )
    def k(w_hbm, out_hbm, buf, sem_in, sem_out):
        wid = lax.axis_index("s") * NC + lax.axis_index("c")
        base = wid * rows_per_w

        def start_in(c):
            cp = pltpu.make_async_copy(
                w_hbm.at[pl.ds(base + c * R, R)], buf.at[c % NBUF], sem_in.at[c % NBUF]
            )
            cp.start()
            return cp

        def start_outs(c):
            cps = []
            for b in range(nbatch):
                cp = pltpu.make_async_copy(
                    buf.at[c % NBUF],
                    out_hbm.at[pl.ds(b * seq_len + base + c * R, R)],
                    sem_out.at[c % NBUF],
                )
                cp.start()
                cps.append(cp)
            return cps

        in_cp = {}
        outs = {}
        drained = set()
        for c in range(min(PRIME, nchunks)):
            in_cp[c] = start_in(c)
        for c in range(nchunks):
            in_cp[c].wait()
            outs[c] = start_outs(c)
            nxt = c + PRIME
            if nxt < nchunks:
                prev = nxt - NBUF
                if prev >= 0:
                    for w in outs[prev]:
                        w.wait()
                    drained.add(prev)
                in_cp[nxt] = start_in(nxt)
        for c in range(nchunks):
            if c not in drained:
                for w in outs[c]:
                    w.wait()

    return k(W_pos)


def _make_tc_body(nbatch, bs, d_model):
    def _body(w_ref, o_ref):
        o_ref[...] = jnp.broadcast_to(w_ref[...][None], (nbatch, bs, d_model))
    return _body


def _tc_broadcast(W_pos, nbatch, seq_len, d_model):
    bs = 512
    grid = (seq_len // bs,)
    return pl.pallas_call(
        _make_tc_body(nbatch, bs, d_model),
        grid=grid,
        in_specs=[pl.BlockSpec((bs, d_model), lambda s: (s, 0))],
        out_specs=pl.BlockSpec((nbatch, bs, d_model), lambda s: (0, s, 0)),
        out_shape=jax.ShapeDtypeStruct((nbatch, seq_len, d_model), W_pos.dtype),
    )(W_pos)


def kernel(tokens, W_pos):
    batch, seq_len = tokens.shape
    d_model = W_pos.shape[1]
    n_tc = batch - 1
    out_tc = _tc_broadcast(W_pos, n_tc, seq_len, d_model)
    out_sc = _sc_broadcast(W_pos, 1, seq_len, d_model)
    return jnp.concatenate([out_tc, out_sc.reshape(1, seq_len, d_model)], axis=0)

# --- scband reference (transcript-rebuilt; emitter-appended) ---
"""Pipeline reference for scband-pos-embed-188978561651 (READ-ONLY COPY).

The authoritative reference and input builder live on the scoring server;
editing this copy changes nothing except your own understanding.
"""

import jax, jax.numpy as jnp
import numpy as np

N_CTX = 4096
D_MODEL = 2048
INIT_RANGE = 0.02

def setup_inputs(seed: int = 0) -> dict:
    key = jax.random.key(seed)
    k_tok, k_w = jax.random.split(key)
    tokens = jax.random.randint(k_tok, (4, 2048), 0, 50257, dtype=jnp.int64 if jax.config.jax_enable_x64 else jnp.int32)
    W_pos = jax.random.normal(k_w, (N_CTX, D_MODEL), dtype=jnp.float32) * INIT_RANGE
    return {"tokens": tokens, "W_pos": W_pos}

def reference(tokens, W_pos):
    batch, seq_len = tokens.shape
    # pos_embed = W_pos[:seq_len, :]
    pos_embed = jax.lax.dynamic_slice_in_dim(W_pos, 0, seq_len, axis=0)
    # einops.repeat 'position d_model -> batch position d_model'
    pos_embed = jnp.broadcast_to(pos_embed[None, :, :], (batch, seq_len, pos_embed.shape[1]))
    return pos_embed

if __name__ == "__main__":
    import jax
    _d = setup_inputs()
    print(jax.jit(kernel)(*tuple(_d.values())))

</pallas_src>

<mosaic_0001>
#map = affine_map<(d0, d1) -> (0, 0)>
module attributes {stable_mosaic.version = 14 : i64} {
  func.func @k(%arg0: i32, %arg1: i32, %arg2: memref<4096x2048xf32, #tpu.memory_space<hbm>>, %arg3: memref<2048x2048xf32, #tpu.memory_space<hbm>>, %arg4: memref<4x8x2048xf32, #tpu.memory_space<vmem>>, %arg5: memref<4x!tpu.dma_semaphore, #tpu.memory_space<semaphore_mem>>, %arg6: memref<4x!tpu.dma_semaphore, #tpu.memory_space<semaphore_mem>>) attributes {dimension_semantics = [#tpu.dimension_semantics<core_parallel>, #tpu.dimension_semantics<subcore_parallel>], iteration_bounds = array<i64: 2, 16>, scalar_prefetch = 0 : i64, scratch_operands = 3 : i64, tpu.core_type = #tpu.core_type<sc_vector_subcore>, window_params = [{transform_indices = #map}, {transform_indices = #map}]} {
    %mul3A = arith.constant 2 : i32
    %mul3A_0 = arith.muli %arg1, %mul3A : i32
    %add3A = arith.addi %mul3A_0, %arg0 : i32
    %mul3A_1 = arith.constant 64 : i32
    %mul3A_2 = arith.muli %add3A, %mul3A_1 : i32
    %add3A_3 = arith.constant 0 : i32
    %add3A_4 = arith.addi %mul3A_2, %add3A_3 : i32
    %dma_start3A = arith.constant 0 : i32
    %dma_start3A_5 = arith.constant 0 : i32
    %dma_start3A_6 = arith.constant 0 : i32
    %dma_start3A_7 = arith.constant 0 : i32
    %dma_start3A_8 = tpu.memref_slice %arg4[%dma_start3A, %dma_start3A_6, %dma_start3A_7] : memref<4x8x2048xf32, #tpu.memory_space<vmem>> -> memref<1x8x2048xf32, #tpu.memory_space<vmem>>
    %dma_start3A_9 = tpu.memref_squeeze %dma_start3A_8 : memref<1x8x2048xf32, #tpu.memory_space<vmem>> -> memref<8x2048xf32, #tpu.memory_space<vmem>>
    %dma_start3A_10 = arith.constant 0 : i32
    %dma_start3A_11 = tpu.memref_slice %arg2[%add3A_4, %dma_start3A_10] : memref<4096x2048xf32, #tpu.memory_space<hbm>> -> memref<8x2048xf32, #tpu.memory_space<hbm>>
    %dma_start3A_12 = tpu.memref_slice %arg5[%dma_start3A_5] : memref<4x!tpu.dma_semaphore, #tpu.memory_space<semaphore_mem>> -> memref<1x!tpu.dma_semaphore, #tpu.memory_space<semaphore_mem>>
    %dma_start3A_13 = tpu.memref_squeeze %dma_start3A_12 : memref<1x!tpu.dma_semaphore, #tpu.memory_space<semaphore_mem>> -> memref<!tpu.dma_semaphore, #tpu.memory_space<semaphore_mem>>
    %dma_start3A_14 = arith.constant 0 : i32
    %dma_start3A_15 = arith.constant 0 : i32
    %dma_start3A_16 = tpu.memref_slice %arg4[%dma_start3A, %dma_start3A_14, %dma_start3A_15] : memref<4x8x2048xf32, #tpu.memory_space<vmem>> -> memref<1x8x2048xf32, #tpu.memory_space<vmem>>
    %dma_start3A_17 = tpu.memref_squeeze %dma_start3A_16 : memref<1x8x2048xf32, #tpu.memory_space<vmem>> -> memref<8x2048xf32, #tpu.memory_space<vmem>>
    %dma_start3A_18 = arith.constant 0 : i32
    %dma_start3A_19 = tpu.memref_slice %arg2[%add3A_4, %dma_start3A_18] : memref<4096x2048xf32, #tpu.memory_space<hbm>> -> memref<8x2048xf32, #tpu.memory_space<hbm>>
    tpu.enqueue_dma source(%dma_start3A_19 : memref<8x2048xf32, #tpu.memory_space<hbm>>) target(%dma_start3A_17 : memref<8x2048xf32, #tpu.memory_space<vmem>>) target_semaphore(%dma_start3A_13 : memref<!tpu.dma_semaphore, #tpu.memory_space<semaphore_mem>>)
    %add3A_20 = arith.constant 8 : i32
    %add3A_21 = arith.addi %mul3A_2, %add3A_20 : i32
    %dma_start3A_22 = arith.constant 1 : i32
    %dma_start3A_23 = arith.constant 1 : i32
    %dma_start3A_24 = arith.constant 0 : i32
    %dma_start3A_25 = arith.constant 0 : i32
    %dma_start3A_26 = tpu.memref_slice %arg4[%dma_start3A_22, %dma_start3A_24, %dma_start3A_25] : memref<4x8x2048xf32, #tpu.memory_space<vmem>> -> memref<1x8x2048xf32, #tpu.memory_space<vmem>>
    %dma_start3A_27 = tpu.memref_squeeze %dma_start3A_26 : memref<1x8x2048xf32, #tpu.memory_space<vmem>> -> memref<8x2048xf32, #tpu.memory_space<vmem>>
    %dma_start3A_28 = arith.constant 0 : i32
    %dma_start3A_29 = tpu.memref_slice %arg2[%add3A_21, %dma_start3A_28] : memref<4096x2048xf32, #tpu.memory_space<hbm>> -> memref<8x2048xf32, #tpu.memory_space<hbm>>
    %dma_start3A_30 = tpu.memref_slice %arg5[%dma_start3A_23] : memref<4x!tpu.dma_semaphore, #tpu.memory_space<semaphore_mem>> -> memref<1x!tpu.dma_semaphore, #tpu.memory_space<semaphore_mem>>
    %dma_start3A_31 = tpu.memref_squeeze %dma_start3A_30 : memref<1x!tpu.dma_semaphore, #tpu.memory_space<semaphore_mem>> -> memref<!tpu.dma_semaphore, #tpu.memory_space<semaphore_mem>>
    %dma_start3A_32 = arith.constant 0 : i32
    %dma_start3A_33 = arith.constant 0 : i32
    %dma_start3A_34 = tpu.memref_slice %arg4[%dma_start3A_22, %dma_start3A_32, %dma_start3A_33] : memref<4x8x2048xf32, #tpu.memory_space<vmem>> -> memref<1x8x2048xf32, #tpu.memory_space<vmem>>
    %dma_start3A_35 = tpu.memref_squeeze %dma_start3A_34 : memref<1x8x2048xf32, #tpu.memory_space<vmem>> -> memref<8x2048xf32, #tpu.memory_space<vmem>>
    %dma_start3A_36 = arith.constant 0 : i32
    %dma_start3A_37 = tpu.memref_slice %arg2[%add3A_21, %dma_start3A_36] : memref<4096x2048xf32, #tpu.memory_space<hbm>> -> memref<8x2048xf32, #tpu.memory_space<hbm>>
    tpu.enqueue_dma source(%dma_start3A_37 : memref<8x2048xf32, #tpu.memory_space<hbm>>) target(%dma_start3A_35 : memref<8x2048xf32, #tpu.memory_space<vmem>>) target_semaphore(%dma_start3A_31 : memref<!tpu.dma_semaphore, #tpu.memory_space<semaphore_mem>>)
    %dma_wait3A = arith.constant 0 : i32
    %dma_wait3A_38 = arith.constant 0 : i32
    %dma_wait3A_39 = arith.constant 0 : i32
    %dma_wait3A_40 = arith.constant 0 : i32
    %dma_wait3A_41 = tpu.memref_slice %arg4[%dma_wait3A, %dma_wait3A_39, %dma_wait3A_40] : memref<4x8x2048xf32, #tpu.memory_space<vmem>> -> memref<1x8x2048xf32, #tpu.memory_space<vmem>>
    %dma_wait3A_42 = tpu.memref_squeeze %dma_wait3A_41 : memref<1x8x2048xf32, #tpu.memory_space<vmem>> -> memref<8x2048xf32, #tpu.memory_space<vmem>>
    %dma_wait3A_43 = arith.constant 0 : i32
    %dma_wait3A_44 = tpu.memref_slice %arg2[%add3A_4, %dma_wait3A_43] : memref<4096x2048xf32, #tpu.memory_space<hbm>> -> memref<8x2048xf32, #tpu.memory_space<hbm>>
    %dma_wait3A_45 = tpu.memref_slice %arg5[%dma_wait3A_38] : memref<4x!tpu.dma_semaphore, #tpu.memory_space<semaphore_mem>> -> memref<1x!tpu.dma_semaphore, #tpu.memory_space<semaphore_mem>>
    %dma_wait3A_46 = tpu.memref_squeeze %dma_wait3A_45 : memref<1x!tpu.dma_semaphore, #tpu.memory_space<semaphore_mem>> -> memref<!tpu.dma_semaphore, #tpu.memory_space<semaphore_mem>>
    %dma_wait3A_47 = arith.constant 0 : i32
    %dma_wait3A_48 = arith.constant 0 : i32
    %dma_wait3A_49 = tpu.memref_slice %arg4[%dma_wait3A, %dma_wait3A_47, %dma_wait3A_48] : memref<4x8x2048xf32, #tpu.memory_space<vmem>> -> memref<1x8x2048xf32, #tpu.memory_space<vmem>>
    %dma_wait3A_50 = tpu.memref_squeeze %dma_wait3A_49 : memref<1x8x2048xf32, #tpu.memory_space<vmem>> -> memref<8x2048xf32, #tpu.memory_space<vmem>>
    %dma_wait3A_51 = arith.constant 0 : i32
    %dma_wait3A_52 = tpu.memref_slice %arg2[%add3A_4, %dma_wait3A_51] : memref<4096x2048xf32, #tpu.memory_space<hbm>> -> memref<8x2048xf32, #tpu.memory_space<hbm>>
    tpu.wait_dma2 semaphore(%dma_wait3A_46 : memref<!tpu.dma_semaphore, #tpu.memory_space<semaphore_mem>>) src(%dma_wait3A_52 : memref<8x2048xf32, #tpu.memory_space<hbm>>) dst(%dma_wait3A_50 : memref<8x2048xf32, #tpu.memory_space<vmem>>)
    %add3A_53 = arith.constant 0 : i32
    %add3A_54 = arith.addi %add3A_53, %mul3A_2 : i32
    %add3A_55 = arith.constant 0 : i32
    %add3A_56 = arith.addi %add3A_54, %add3A_55 : i32
    %dma_start3A_57 = arith.constant 0 : i32
    %dma_start3A_58 = arith.constant 0 : i32
    %dma_start3A_59 = arith.constant 0 : i32
    %dma_start3A_60 = arith.constant 0 : i32
    %dma_start3A_61 = tpu.memref_slice %arg4[%dma_start3A_57, %dma_start3A_59, %dma_start3A_60] : memref<4x8x2048xf32, #tpu.memory_space<vmem>> -> memref<1x8x2048xf32, #tpu.memory_space<vmem>>
    %dma_start3A_62 = tpu.memref_squeeze %dma_start3A_61 : memref<1x8x2048xf32, #tpu.memory_space<vmem>> -> memref<8x2048xf32, #tpu.memory_space<vmem>>
    %dma_start3A_63 = arith.constant 0 : i32
    %dma_start3A_64 = tpu.memref_slice %arg3[%add3A_56, %dma_start3A_63] : memref<2048x2048xf32, #tpu.memory_space<hbm>> -> memref<8x2048xf32, #tpu.memory_space<hbm>>
    %dma_start3A_65 = tpu.memref_slice %arg6[%dma_start3A_58] : memref<4x!tpu.dma_semaphore, #tpu.memory_space<semaphore_mem>> -> memref<1x!tpu.dma_semaphore, #tpu.memory_space<semaphore_mem>>
    %dma_start3A_66 = tpu.memref_squeeze %dma_start3A_65 : memref<1x!tpu.dma_semaphore, #tpu.memory_space<semaphore_mem>> -> memref<!tpu.dma_semaphore, #tpu.memory_space<semaphore_mem>>
    %dma_start3A_67 = arith.constant 0 : i32
    %dma_start3A_68 = tpu.memref_slice %arg3[%add3A_56, %dma_start3A_67] : memref<2048x2048xf32, #tpu.memory_space<hbm>> -> memref<8x2048xf32, #tpu.memory_space<hbm>>
    %dma_start3A_69 = arith.constant 0 : i32
    %dma_start3A_70 = arith.constant 0 : i32
    %dma_start3A_71 = tpu.memref_slice %arg4[%dma_start3A_57, %dma_start3A_69, %dma_start3A_70] : memref<4x8x2048xf32, #tpu.memory_space<vmem>> -> memref<1x8x2048xf32, #tpu.memory_space<vmem>>
    %dma_start3A_72 = tpu.memref_squeeze %dma_start3A_71 : memref<1x8x2048xf32, #tpu.memory_space<vmem>> -> memref<8x2048xf32, #tpu.memory_space<vmem>>
    tpu.enqueue_dma source(%dma_start3A_72 : memref<8x2048xf32, #tpu.memory_space<vmem>>) target(%dma_start3A_68 : memref<8x2048xf32, #tpu.memory_space<hbm>>) target_semaphore(%dma_start3A_66 : memref<!tpu.dma_semaphore, #tpu.memory_space<semaphore_mem>>)
    %add3A_73 = arith.constant 16 : i32
    %add3A_74 = arith.addi %mul3A_2, %add3A_73 : i32
    %dma_start3A_75 = arith.constant 2 : i32
    %dma_start3A_76 = arith.constant 2 : i32
    %dma_start3A_77 = arith.constant 0 : i32
    %dma_start3A_78 = arith.constant 0 : i32
    %dma_start3A_79 = tpu.memref_slice %arg4[%dma_start3A_75, %dma_start3A_77, %dma_start3A_78] : memref<4x8x2048xf32, #tpu.memory_space<vmem>> -> memref<1x8x2048xf32, #tpu.memory_space<vmem>>
    %dma_start3A_80 = tpu.memref_squeeze %dma_start3A_79 : memref<1x8x2048xf32, #tpu.memory_space<vmem>> -> memref<8x2048xf32, #tpu.memory_space<vmem>>
    %dma_start3A_81 = arith.constant 0 : i32
    %dma_start3A_82 = tpu.memref_slice %arg2[%add3A_74, %dma_start3A_81] : memref<4096x2048xf32, #tpu.memory_space<hbm>> -> memref<8x2048xf32, #tpu.memory_space<hbm>>
    %dma_start3A_83 = tpu.memref_slice %arg5[%dma_start3A_76] : memref<4x!tpu.dma_semaphore, #tpu.memory_space<semaphore_mem>> -> memref<1x!tpu.dma_semaphore, #tpu.memory_space<semaphore_mem>>
    %dma_start3A_84 = tpu.memref_squeeze %dma_start3A_83 : memref<1x!tpu.dma_semaphore, #tpu.memory_space<semaphore_mem>> -> memref<!tpu.dma_semaphore, #tpu.memory_space<semaphore_mem>>
    %dma_start3A_85 = arith.constant 0 : i32
    %dma_start3A_86 = arith.constant 0 : i32
    %dma_start3A_87 = tpu.memref_slice %arg4[%dma_start3A_75, %dma_start3A_85, %dma_start3A_86] : memref<4x8x2048xf32, #tpu.memory_space<vmem>> -> memref<1x8x2048xf32, #tpu.memory_space<vmem>>
    %dma_start3A_88 = tpu.memref_squeeze %dma_start3A_87 : memref<1x8x2048xf32, #tpu.memory_space<vmem>> -> memref<8x2048xf32, #tpu.memory_space<vmem>>
    %dma_start3A_89 = arith.constant 0 : i32
    %dma_start3A_90 = tpu.memref_slice %arg2[%add3A_74, %dma_start3A_89] : memref<4096x2048xf32, #tpu.memory_space<hbm>> -> memref<8x2048xf32, #tpu.memory_space<hbm>>
    tpu.enqueue_dma source(%dma_start3A_90 : memref<8x2048xf32, #tpu.memory_space<hbm>>) target(%dma_start3A_88 : memref<8x2048xf32, #tpu.memory_space<vmem>>) target_semaphore(%dma_start3A_84 : memref<!tpu.dma_semaphore, #tpu.memory_space<semaphore_mem>>)
    %dma_wait3A_91 = arith.constant 1 : i32
    %dma_wait3A_92 = arith.constant 1 : i32
    %dma_wait3A_93 = arith.constant 0 : i32
    %dma_wait3A_94 = arith.constant 0 : i32
    %dma_wait3A_95 = tpu.memref_slice %arg4[%dma_wait3A_91, %dma_wait3A_93, %dma_wait3A_94] : memref<4x8x2048xf32, #tpu.memory_space<vmem>> -> memref<1x8x2048xf32, #tpu.memory_space<vmem>>
    %dma_wait3A_96 = tpu.memref_squeeze %dma_wait3A_95 : memref<1x8x2048xf32, #tpu.memory_space<vmem>> -> memref<8x2048xf32, #tpu.memory_space<vmem>>
    %dma_wait3A_97 = arith.constant 0 : i32
    %dma_wait3A_98 = tpu.memref_slice %arg2[%add3A_21, %dma_wait3A_97] : memref<4096x2048xf32, #tpu.memory_space<hbm>> -> memref<8x2048xf32, #tpu.memory_space<hbm>>
    %dma_wait3A_99 = tpu.memref_slice %arg5[%dma_wait3A_92] : memref<4x!tpu.dma_semaphore, #tpu.memory_space<semaphore_mem>> -> memref<1x!tpu.dma_semaphore, #tpu.memory_space<semaphore_mem>>
    %dma_wait3A_100 = tpu.memref_squeeze %dma_wait3A_99 : memref<1x!tpu.dma_semaphore, #tpu.memory_space<semaphore_mem>> -> memref<!tpu.dma_semaphore, #tpu.memory_space<semaphore_mem>>
    %dma_wait3A_101 = arith.constant 0 : i32
    %dma_wait3A_102 = arith.constant 0 : i32
    %dma_wait3A_103 = tpu.memref_slice %arg4[%dma_wait3A_91, %dma_wait3A_101, %dma_wait3A_102] : memref<4x8x2048xf32, #tpu.memory_space<vmem>> -> memref<1x8x2048xf32, #tpu.memory_space<vmem>>
    %dma_wait3A_104 = tpu.memref_squeeze %dma_wait3A_103 : memref<1x8x2048xf32, #tpu.memory_space<vmem>> -> memref<8x2048xf32, #tpu.memory_space<vmem>>
    %dma_wait3A_105 = arith.constant 0 : i32
    %dma_wait3A_106 = tpu.memref_slice %arg2[%add3A_21, %dma_wait3A_105] : memref<4096x2048xf32, #tpu.memory_space<hbm>> -> memref<8x2048xf32, #tpu.memory_space<hbm>>
    tpu.wait_dma2 semaphore(%dma_wait3A_100 : memref<!tpu.dma_semaphore, #tpu.memory_space<semaphore_mem>>) src(%dma_wait3A_106 : memref<8x2048xf32, #tpu.memory_space<hbm>>) dst(%dma_wait3A_104 : memref<8x2048xf32, #tpu.memory_space<vmem>>)
    %add3A_107 = arith.constant 0 : i32
    %add3A_108 = arith.addi %add3A_107, %mul3A_2 : i32
    %add3A_109 = arith.constant 8 : i32
    %add3A_110 = arith.addi %add3A_108, %add3A_109 : i32
    %dma_start3A_111 = arith.constant 1 : i32
    %dma_start3A_112 = arith.constant 1 : i32
    %dma_start3A_113 = arith.constant 0 : i32
    %dma_start3A_114 = arith.constant 0 : i32
    %dma_start3A_115 = tpu.memref_slice %arg4[%dma_start3A_111, %dma_start3A_113, %dma_start3A_114] : memref<4x8x2048xf32, #tpu.memory_space<vmem>> -> memref<1x8x2048xf32, #tpu.memory_space<vmem>>
    %dma_start3A_116 = tpu.memref_squeeze %dma_start3A_115 : memref<1x8x2048xf32, #tpu.memory_space<vmem>> -> memref<8x2048xf32, #tpu.memory_space<vmem>>
    %dma_start3A_117 = arith.constant 0 : i32
    %dma_start3A_118 = tpu.memref_slice %arg3[%add3A_110, %dma_start3A_117] : memref<2048x2048xf32, #tpu.memory_space<hbm>> -> memref<8x2048xf32, #tpu.memory_space<hbm>>
    %dma_start3A_119 = tpu.memref_slice %arg6[%dma_start3A_112] : memref<4x!tpu.dma_semaphore, #tpu.memory_space<semaphore_mem>> -> memref<1x!tpu.dma_semaphore, #tpu.memory_space<semaphore_mem>>
    %dma_start3A_120 = tpu.memref_squeeze %dma_start3A_119 : memref<1x!tpu.dma_semaphore, #tpu.memory_space<semaphore_mem>> -> memref<!tpu.dma_semaphore, #tpu.memory_space<semaphore_mem>>
    %dma_start3A_121 = arith.constant 0 : i32
    %dma_start3A_122 = tpu.memref_slice %arg3[%add3A_110, %dma_start3A_121] : memref<2048x2048xf32, #tpu.memory_space<hbm>> -> memref<8x2048xf32, #tpu.memory_space<hbm>>
    %dma_start3A_123 = arith.constant 0 : i32
    %dma_start3A_124 = arith.constant 0 : i32
    %dma_start3A_125 = tpu.memref_slice %arg4[%dma_start3A_111, %dma_start3A_123, %dma_start3A_124] : memref<4x8x2048xf32, #tpu.memory_space<vmem>> -> memref<1x8x2048xf32, #tpu.memory_space<vmem>>
    %dma_start3A_126 = tpu.memref_squeeze %dma_start3A_125 : memref<1x8x2048xf32, #tpu.memory_space<vmem>> -> memref<8x2048xf32, #tpu.memory_space<vmem>>
    tpu.enqueue_dma source(%dma_start3A_126 : memref<8x2048xf32, #tpu.memory_space<vmem>>) target(%dma_start3A_122 : memref<8x2048xf32, #tpu.memory_space<hbm>>) target_semaphore(%dma_start3A_120 : memref<!tpu.dma_semaphore, #tpu.memory_space<semaphore_mem>>)
    %add3A_127 = arith.constant 24 : i32
    %add3A_128 = arith.addi %mul3A_2, %add3A_127 : i32
    %dma_start3A_129 = arith.constant 3 : i32
    %dma_start3A_130 = arith.constant 3 : i32
    %dma_start3A_131 = arith.constant 0 : i32
    %dma_start3A_132 = arith.constant 0 : i32
    %dma_start3A_133 = tpu.memref_slice %arg4[%dma_start3A_129, %dma_start3A_131, %dma_start3A_132] : memref<4x8x2048xf32, #tpu.memory_space<vmem>> -> memref<1x8x2048xf32, #tpu.memory_space<vmem>>
    %dma_start3A_134 = tpu.memref_squeeze %dma_start3A_133 : memref<1x8x2048xf32, #tpu.memory_space<vmem>> -> memref<8x2048xf32, #tpu.memory_space<vmem>>
    %dma_start3A_135 = arith.constant 0 : i32
    %dma_start3A_136 = tpu.memref_slice %arg2[%add3A_128, %dma_start3A_135] : memref<4096x2048xf32, #tpu.memory_space<hbm>> -> memref<8x2048xf32, #tpu.memory_space<hbm>>
    %dma_start3A_137 = tpu.memref_slice %arg5[%dma_start3A_130] : memref<4x!tpu.dma_semaphore, #tpu.memory_space<semaphore_mem>> -> memref<1x!tpu.dma_semaphore, #tpu.memory_space<semaphore_mem>>
    %dma_start3A_138 = tpu.memref_squeeze %dma_start3A_137 : memref<1x!tpu.dma_semaphore, #tpu.memory_space<semaphore_mem>> -> memref<!tpu.dma_semaphore, #tpu.memory_space<semaphore_mem>>
    %dma_start3A_139 = arith.constant 0 : i32
    %dma_start3A_140 = arith.constant 0 : i32
    %dma_start3A_141 = tpu.memref_slice %arg4[%dma_start3A_129, %dma_start3A_139, %dma_start3A_140] : memref<4x8x2048xf32, #tpu.memory_space<vmem>> -> memref<1x8x2048xf32, #tpu.memory_space<vmem>>
    %dma_start3A_142 = tpu.memref_squeeze %dma_start3A_141 : memref<1x8x2048xf32, #tpu.memory_space<vmem>> -> memref<8x2048xf32, #tpu.memory_space<vmem>>
    %dma_start3A_143 = arith.constant 0 : i32
    %dma_start3A_144 = tpu.memref_slice %arg2[%add3A_128, %dma_start3A_143] : memref<4096x2048xf32, #tpu.memory_space<hbm>> -> memref<8x2048xf32, #tpu.memory_space<hbm>>
    tpu.enqueue_dma source(%dma_start3A_144 : memref<8x2048xf32, #tpu.memory_space<hbm>>) target(%dma_start3A_142 : memref<8x2048xf32, #tpu.memory_space<vmem>>) target_semaphore(%dma_start3A_138 : memref<!tpu.dma_semaphore, #tpu.memory_space<semaphore_mem>>)
    %dma_wait3A_145 = arith.constant 2 : i32
    %dma_wait3A_146 = arith.constant 2 : i32
    %dma_wait3A_147 = arith.constant 0 : i32
    %dma_wait3A_148 = arith.constant 0 : i32
    %dma_wait3A_149 = tpu.memref_slice %arg4[%dma_wait3A_145, %dma_wait3A_147, %dma_wait3A_148] : memref<4x8x2048xf32, #tpu.memory_space<vmem>> -> memref<1x8x2048xf32, #tpu.memory_space<vmem>>
    %dma_wait3A_150 = tpu.memref_squeeze %dma_wait3A_149 : memref<1x8x2048xf32, #tpu.memory_space<vmem>> -> memref<8x2048xf32, #tpu.memory_space<vmem>>
    %dma_wait3A_151 = arith.constant 0 : i32
    %dma_wait3A_152 = tpu.memref_slice %arg2[%add3A_74, %dma_wait3A_151] : memref<4096x2048xf32, #tpu.memory_space<hbm>> -> memref<8x2048xf32, #tpu.memory_space<hbm>>
    %dma_wait3A_153 = tpu.memref_slice %arg5[%dma_wait3A_146] : memref<4x!tpu.dma_semaphore, #tpu.memory_space<semaphore_mem>> -> memref<1x!tpu.dma_semaphore, #tpu.memory_space<semaphore_mem>>
    %dma_wait3A_154 = tpu.memref_squeeze %dma_wait3A_153 : memref<1x!tpu.dma_semaphore, #tpu.memory_space<semaphore_mem>> -> memref<!tpu.dma_semaphore, #tpu.memory_space<semaphore_mem>>
    %dma_wait3A_155 = arith.constant 0 : i32
    %dma_wait3A_156 = arith.constant 0 : i32
    %dma_wait3A_157 = tpu.memref_slice %arg4[%dma_wait3A_145, %dma_wait3A_155, %dma_wait3A_156] : memref<4x8x2048xf32, #tpu.memory_space<vmem>> -> memref<1x8x2048xf32, #tpu.memory_space<vmem>>
    %dma_wait3A_158 = tpu.memref_squeeze %dma_wait3A_157 : memref<1x8x2048xf32, #tpu.memory_space<vmem>> -> memref<8x2048xf32, #tpu.memory_space<vmem>>
    %dma_wait3A_159 = arith.constant 0 : i32
    %dma_wait3A_160 = tpu.memref_slice %arg2[%add3A_74, %dma_wait3A_159] : memref<4096x2048xf32, #tpu.memory_space<hbm>> -> memref<8x2048xf32, #tpu.memory_space<hbm>>
    tpu.wait_dma2 semaphore(%dma_wait3A_154 : memref<!tpu.dma_semaphore, #tpu.memory_space<semaphore_mem>>) src(%dma_wait3A_160 : memref<8x2048xf32, #tpu.memory_space<hbm>>) dst(%dma_wait3A_158 : memref<8x2048xf32, #tpu.memory_space<vmem>>)
    %add3A_161 = arith.constant 0 : i32
    %add3A_162 = arith.addi %add3A_161, %mul3A_2 : i32
    %add3A_163 = arith.constant 16 : i32
    %add3A_164 = arith.addi %add3A_162, %add3A_163 : i32
    %dma_start3A_165 = arith.constant 2 : i32
    %dma_start3A_166 = arith.constant 2 : i32
    %dma_start3A_167 = arith.constant 0 : i32
    %dma_start3A_168 = arith.constant 0 : i32
    %dma_start3A_169 = tpu.memref_slice %arg4[%dma_start3A_165, %dma_start3A_167, %dma_start3A_168] : memref<4x8x2048xf32, #tpu.memory_space<vmem>> -> memref<1x8x2048xf32, #tpu.memory_space<vmem>>
    %dma_start3A_170 = tpu.memref_squeeze %dma_start3A_169 : memref<1x8x2048xf32, #tpu.memory_space<vmem>> -> memref<8x2048xf32, #tpu.memory_space<vmem>>
    %dma_start3A_171 = arith.constant 0 : i32
    %dma_start3A_172 = tpu.memref_slice %arg3[%add3A_164, %dma_start3A_171] : memref<2048x2048xf32, #tpu.memory_space<hbm>> -> memref<8x2048xf32, #tpu.memory_space<hbm>>
    %dma_start3A_173 = tpu.memref_slice %arg6[%dma_start3A_166] : memref<4x!tpu.dma_semaphore, #tpu.memory_space<semaphore_mem>> -> memref<1x!tpu.dma_semaphore, #tpu.memory_space<semaphore_mem>>
    %dma_start3A_174 = tpu.memref_squeeze %dma_start3A_173 : memref<1x!tpu.dma_semaphore, #tpu.memory_space<semaphore_mem>> -> memref<!tpu.dma_semaphore, #tpu.memory_space<semaphore_mem>>
    %dma_start3A_175 = arith.constant 0 : i32
    %dma_start3A_176 = tpu.memref_slice %arg3[%add3A_164, %dma_start3A_175] : memref<2048x2048xf32, #tpu.memory_space<hbm>> -> memref<8x2048xf32, #tpu.memory_space<hbm>>
    %dma_start3A_177 = arith.constant 0 : i32
    %dma_start3A_178 = arith.constant 0 : i32
    %dma_start3A_179 = tpu.memref_slice %arg4[%dma_start3A_165, %dma_start3A_177, %dma_start3A_178] : memref<4x8x2048xf32, #tpu.memory_space<vmem>> -> memref<1x8x2048xf32, #tpu.memory_space<vmem>>
    %dma_start3A_180 = tpu.memref_squeeze %dma_start3A_179 : memref<1x8x2048xf32, #tpu.memory_space<vmem>> -> memref<8x2048xf32, #tpu.memory_space<vmem>>
    tpu.enqueue_dma source(%dma_start3A_180 : memref<8x2048xf32, #tpu.memory_space<vmem>>) target(%dma_start3A_176 : memref<8x2048xf32, #tpu.memory_space<hbm>>) target_semaphore(%dma_start3A_174 : memref<!tpu.dma_semaphore, #tpu.memory_space<semaphore_mem>>)
    %dma_wait3A_181 = arith.constant 0 : i32
    %dma_wait3A_182 = arith.constant 0 : i32
    %dma_wait3A_183 = arith.constant 0 : i32
    %dma_wait3A_184 = arith.constant 0 : i32
    %dma_wait3A_185 = tpu.memref_slice %arg4[%dma_wait3A_181, %dma_wait3A_183, %dma_wait3A_184] : memref<4x8x2048xf32, #tpu.memory_space<vmem>> -> memref<1x8x2048xf32, #tpu.memory_space<vmem>>
    %dma_wait3A_186 = tpu.memref_squeeze %dma_wait3A_185 : memref<1x8x2048xf32, #tpu.memory_space<vmem>> -> memref<8x2048xf32, #tpu.memory_space<vmem>>
    %dma_wait3A_187 = arith.constant 0 : i32
    %dma_wait3A_188 = tpu.memref_slice %arg3[%add3A_56, %dma_wait3A_187] : memref<2048x2048xf32, #tpu.memory_space<hbm>> -> memref<8x2048xf32, #tpu.memory_space<hbm>>
    %dma_wait3A_189 = tpu.memref_slice %arg6[%dma_wait3A_182] : memref<4x!tpu.dma_semaphore, #tpu.memory_space<semaphore_mem>> -> memref<1x!tpu.dma_semaphore, #tpu.memory_space<semaphore_mem>>
    %dma_wait3A_190 = tpu.memref_squeeze %dma_wait3A_189 : memref<1x!tpu.dma_semaphore, #tpu.memory_space<semaphore_mem>> -> memref<!tpu.dma_semaphore, #tpu.memory_space<semaphore_mem>>
    %dma_wait3A_191 = arith.constant 0 : i32
    %dma_wait3A_192 = tpu.memref_slice %arg3[%add3A_56, %dma_wait3A_191] : memref<2048x2048xf32, #tpu.memory_space<hbm>> -> memref<8x2048xf32, #tpu.memory_space<hbm>>
    %dma_wait3A_193 = arith.constant 0 : i32
    %dma_wait3A_194 = arith.constant 0 : i32
    %dma_wait3A_195 = tpu.memref_slice %arg4[%dma_wait3A_181, %dma_wait3A_193, %dma_wait3A_194] : memref<4x8x2048xf32, #tpu.memory_space<vmem>> -> memref<1x8x2048xf32, #tpu.memory_space<vmem>>
    %dma_wait3A_196 = tpu.memref_squeeze %dma_wait3A_195 : memref<1x8x2048xf32, #tpu.memory_space<vmem>> -> memref<8x2048xf32, #tpu.memory_space<vmem>>
    tpu.wait_dma2 semaphore(%dma_wait3A_190 : memref<!tpu.dma_semaphore, #tpu.memory_space<semaphore_mem>>) src(%dma_wait3A_196 : memref<8x2048xf32, #tpu.memory_space<vmem>>) dst(%dma_wait3A_192 : memref<8x2048xf32, #tpu.memory_space<hbm>>)
    %add3A_197 = arith.constant 32 : i32
    %add3A_198 = arith.addi %mul3A_2, %add3A_197 : i32
    %dma_start3A_199 = arith.constant 0 : i32
    %dma_start3A_200 = arith.constant 0 : i32
    %dma_start3A_201 = arith.constant 0 : i32
    %dma_start3A_202 = arith.constant 0 : i32
    %dma_start3A_203 = tpu.memref_slice %arg4[%dma_start3A_199, %dma_start3A_201, %dma_start3A_202] : memref<4x8x2048xf32, #tpu.memory_space<vmem>> -> memref<1x8x2048xf32, #tpu.memory_space<vmem>>
    %dma_start3A_204 = tpu.memref_squeeze %dma_start3A_203 : memref<1x8x2048xf32, #tpu.memory_space<vmem>> -> memref<8x2048xf32, #tpu.memory_space<vmem>>
    %dma_start3A_205 = arith.constant 0 : i32
    %dma_start3A_206 = tpu.memref_slice %arg2[%add3A_198, %dma_start3A_205] : memref<4096x2048xf32, #tpu.memory_space<hbm>> -> memref<8x2048xf32, #tpu.memory_space<hbm>>
    %dma_start3A_207 = tpu.memref_slice %arg5[%dma_start3A_200] : memref<4x!tpu.dma_semaphore, #tpu.memory_space<semaphore_mem>> -> memref<1x!tpu.dma_semaphore, #tpu.memory_space<semaphore_mem>>
    %dma_start3A_208 = tpu.memref_squeeze %dma_start3A_207 : memref<1x!tpu.dma_semaphore, #tpu.memory_space<semaphore_mem>> -> memref<!tpu.dma_semaphore, #tpu.memory_space<semaphore_mem>>
    %dma_start3A_209 = arith.constant 0 : i32
    %dma_start3A_210 = arith.constant 0 : i32
    %dma_start3A_211 = tpu.memref_slice %arg4[%dma_start3A_199, %dma_start3A_209, %dma_start3A_210] : memref<4x8x2048xf32, #tpu.memory_space<vmem>> -> memref<1x8x2048xf32, #tpu.memory_space<vmem>>
    %dma_start3A_212 = tpu.memref_squeeze %dma_start3A_211 : memref<1x8x2048xf32, #tpu.memory_space<vmem>> -> memref<8x2048xf32, #tpu.memory_space<vmem>>
    %dma_start3A_213 = arith.constant 0 : i32
    %dma_start3A_214 = tpu.memref_slice %arg2[%add3A_198, %dma_start3A_213] : memref<4096x2048xf32, #tpu.memory_space<hbm>> -> memref<8x2048xf32, #tpu.memory_space<hbm>>
    tpu.enqueue_dma source(%dma_start3A_214 : memref<8x2048xf32, #tpu.memory_space<hbm>>) target(%dma_start3A_212 : memref<8x2048xf32, #tpu.memory_space<vmem>>) target_semaphore(%dma_start3A_208 : memref<!tpu.dma_semaphore, #tpu.memory_space<semaphore_mem>>)
    %dma_wait3A_215 = arith.constant 3 : i32
    %dma_wait3A_216 = arith.constant 3 : i32
    %dma_wait3A_217 = arith.constant 0 : i32
    %dma_wait3A_218 = arith.constant 0 : i32
    %dma_wait3A_219 = tpu.memref_slice %arg4[%dma_wait3A_215, %dma_wait3A_217, %dma_wait3A_218] : memref<4x8x2048xf32, #tpu.memory_space<vmem>> -> memref<1x8x2048xf32, #tpu.memory_space<vmem>>
    %dma_wait3A_220 = tpu.memref_squeeze %dma_wait3A_219 : memref<1x8x2048xf32, #tpu.memory_space<vmem>> -> memref<8x2048xf32, #tpu.memory_space<vmem>>
    %dma_wait3A_221 = arith.constant 0 : i32
    %dma_wait3A_222 = tpu.memref_slice %arg2[%add3A_128, %dma_wait3A_221] : memref<4096x2048xf32, #tpu.memory_space<hbm>> -> memref<8x2048xf32, #tpu.memory_space<hbm>>
    %dma_wait3A_223 = tpu.memref_slice %arg5[%dma_wait3A_216] : memref<4x!tpu.dma_semaphore, #tpu.memory_space<semaphore_mem>> -> memref<1x!tpu.dma_semaphore, #tpu.memory_space<semaphore_mem>>
    %dma_wait3A_224 = tpu.memref_squeeze %dma_wait3A_223 : memref<1x!tpu.dma_semaphore, #tpu.memory_space<semaphore_mem>> -> memref<!tpu.dma_semaphore, #tpu.memory_space<semaphore_mem>>
    %dma_wait3A_225 = arith.constant 0 : i32
    %dma_wait3A_226 = arith.constant 0 : i32
    %dma_wait3A_227 = tpu.memref_slice %arg4[%dma_wait3A_215, %dma_wait3A_225, %dma_wait3A_226] : memref<4x8x2048xf32, #tpu.memory_space<vmem>> -> memref<1x8x2048xf32, #tpu.memory_space<vmem>>
    %dma_wait3A_228 = tpu.memref_squeeze %dma_wait3A_227 : memref<1x8x2048xf32, #tpu.memory_space<vmem>> -> memref<8x2048xf32, #tpu.memory_space<vmem>>
    %dma_wait3A_229 = arith.constant 0 : i32
    %dma_wait3A_230 = tpu.memref_slice %arg2[%add3A_128, %dma_wait3A_229] : memref<4096x2048xf32, #tpu.memory_space<hbm>> -> memref<8x2048xf32, #tpu.memory_space<hbm>>
    tpu.wait_dma2 semaphore(%dma_wait3A_224 : memref<!tpu.dma_semaphore, #tpu.memory_space<semaphore_mem>>) src(%dma_wait3A_230 : memref<8x2048xf32, #tpu.memory_space<hbm>>) dst(%dma_wait3A_228 : memref<8x2048xf32, #tpu.memory_space<vmem>>)
    %add3A_231 = arith.constant 0 : i32
    %add3A_232 = arith.addi %add3A_231, %mul3A_2 : i32
    %add3A_233 = arith.constant 24 : i32
    %add3A_234 = arith.addi %add3A_232, %add3A_233 : i32
    %dma_start3A_235 = arith.constant 3 : i32
    %dma_start3A_236 = arith.constant 3 : i32
    %dma_start3A_237 = arith.constant 0 : i32
    %dma_start3A_238 = arith.constant 0 : i32
    %dma_start3A_239 = tpu.memref_slice %arg4[%dma_start3A_235, %dma_start3A_237, %dma_start3A_238] : memref<4x8x2048xf32, #tpu.memory_space<vmem>> -> memref<1x8x2048xf32, #tpu.memory_space<vmem>>
    %dma_start3A_240 = tpu.memref_squeeze %dma_start3A_239 : memref<1x8x2048xf32, #tpu.memory_space<vmem>> -> memref<8x2048xf32, #tpu.memory_space<vmem>>
    %dma_start3A_241 = arith.constant 0 : i32
    %dma_start3A_242 = tpu.memref_slice %arg3[%add3A_234, %dma_start3A_241] : memref<2048x2048xf32, #tpu.memory_space<hbm>> -> memref<8x2048xf32, #tpu.memory_space<hbm>>
    %dma_start3A_243 = tpu.memref_slice %arg6[%dma_start3A_236] : memref<4x!tpu.dma_semaphore, #tpu.memory_space<semaphore_mem>> -> memref<1x!tpu.dma_semaphore, #tpu.memory_space<semaphore_mem>>
    %dma_start3A_244 = tpu.memref_squeeze %dma_start3A_243 : memref<1x!tpu.dma_semaphore, #tpu.memory_space<semaphore_mem>> -> memref<!tpu.dma_semaphore, #tpu.memory_space<semaphore_mem>>
    %dma_start3A_245 = arith.constant 0 : i32
    %dma_start3A_246 = tpu.memref_slice %arg3[%add3A_234, %dma_start3A_245] : memref<2048x2048xf32, #tpu.memory_space<hbm>> -> memref<8x2048xf32, #tpu.memory_space<hbm>>
    %dma_start3A_247 = arith.constant 0 : i32
    %dma_start3A_248 = arith.constant 0 : i32
    %dma_start3A_249 = tpu.memref_slice %arg4[%dma_start3A_235, %dma_start3A_247, %dma_start3A_248] : memref<4x8x2048xf32, #tpu.memory_space<vmem>> -> memref<1x8x2048xf32, #tpu.memory_space<vmem>>
    %dma_start3A_250 = tpu.memref_squeeze %dma_start3A_249 : memref<1x8x2048xf32, #tpu.memory_space<vmem>> -> memref<8x2048xf32, #tpu.memory_space<vmem>>
    tpu.enqueue_dma source(%dma_start3A_250 : memref<8x2048xf32, #tpu.memory_space<vmem>>) target(%dma_start3A_246 : memref<8x2048xf32, #tpu.memory_space<hbm>>) target_semaphore(%dma_start3A_244 : memref<!tpu.dma_semaphore, #tpu.memory_space<semaphore_mem>>)
    %dma_wait3A_251 = arith.constant 1 : i32
    %dma_wait3A_252 = arith.constant 1 : i32
    %dma_wait3A_253 = arith.constant 0 : i32
    %dma_wait3A_254 = arith.constant 0 : i32
    %dma_wait3A_255 = tpu.memref_slice %arg4[%dma_wait3A_251, %dma_wait3A_253, %dma_wait3A_254] : memref<4x8x2048xf32, #tpu.memory_space<vmem>> -> memref<1x8x2048xf32, #tpu.memory_space<vmem>>
    %dma_wait3A_256 = tpu.memref_squeeze %dma_wait3A_255 : memref<1x8x2048xf32, #tpu.memory_space<vmem>> -> memref<8x2048xf32, #tpu.memory_space<vmem>>
    %dma_wait3A_257 = arith.constant 0 : i32
    %dma_wait3A_258 = tpu.memref_slice %arg3[%add3A_110, %dma_wait3A_257] : memref<2048x2048xf32, #tpu.memory_space<hbm>> -> memref<8x2048xf32, #tpu.memory_space<hbm>>
    %dma_wait3A_259 = tpu.memref_slice %arg6[%dma_wait3A_252] : memref<4x!tpu.dma_semaphore, #tpu.memory_space<semaphore_mem>> -> memref<1x!tpu.dma_semaphore, #tpu.memory_space<semaphore_mem>>
    %dma_wait3A_260 = tpu.memref_squeeze %dma_wait3A_259 : memref<1x!tpu.dma_semaphore, #tpu.memory_space<semaphore_mem>> -> memref<!tpu.dma_semaphore, #tpu.memory_space<semaphore_mem>>
    %dma_wait3A_261 = arith.constant 0 : i32
    %dma_wait3A_262 = tpu.memref_slice %arg3[%add3A_110, %dma_wait3A_261] : memref<2048x2048xf32, #tpu.memory_space<hbm>> -> memref<8x2048xf32, #tpu.memory_space<hbm>>
    %dma_wait3A_263 = arith.constant 0 : i32
    %dma_wait3A_264 = arith.constant 0 : i32
    %dma_wait3A_265 = tpu.memref_slice %arg4[%dma_wait3A_251, %dma_wait3A_263, %dma_wait3A_264] : memref<4x8x2048xf32, #tpu.memory_space<vmem>> -> memref<1x8x2048xf32, #tpu.memory_space<vmem>>
    %dma_wait3A_266 = tpu.memref_squeeze %dma_wait3A_265 : memref<1x8x2048xf32, #tpu.memory_space<vmem>> -> memref<8x2048xf32, #tpu.memory_space<vmem>>
    tpu.wait_dma2 semaphore(%dma_wait3A_260 : memref<!tpu.dma_semaphore, #tpu.memory_space<semaphore_mem>>) src(%dma_wait3A_266 : memref<8x2048xf32, #tpu.memory_space<vmem>>) dst(%dma_wait3A_262 : memref<8x2048xf32, #tpu.memory_space<hbm>>)
    %add3A_267 = arith.constant 40 : i32
    %add3A_268 = arith.addi %mul3A_2, %add3A_267 : i32
    %dma_start3A_269 = arith.constant 1 : i32
    %dma_start3A_270 = arith.constant 1 : i32
    %dma_start3A_271 = arith.constant 0 : i32
    %dma_start3A_272 = arith.constant 0 : i32
    %dma_start3A_273 = tpu.memref_slice %arg4[%dma_start3A_269, %dma_start3A_271, %dma_start3A_272] : memref<4x8x2048xf32, #tpu.memory_space<vmem>> -> memref<1x8x2048xf32, #tpu.memory_space<vmem>>
    %dma_start3A_274 = tpu.memref_squeeze %dma_start3A_273 : memref<1x8x2048xf32, #tpu.memory_space<vmem>> -> memref<8x2048xf32, #tpu.memory_space<vmem>>
    %dma_start3A_275 = arith.constant 0 : i32
    %dma_start3A_276 = tpu.memref_slice %arg2[%add3A_268, %dma_start3A_275] : memref<4096x2048xf32, #tpu.memory_space<hbm>> -> memref<8x2048xf32, #tpu.memory_space<hbm>>
    %dma_start3A_277 = tpu.memref_slice %arg5[%dma_start3A_270] : memref<4x!tpu.dma_semaphore, #tpu.memory_space<semaphore_mem>> -> memref<1x!tpu.dma_semaphore, #tpu.memory_space<semaphore_mem>>
    %dma_start3A_278 = tpu.memref_squeeze %dma_start3A_277 : memref<1x!tpu.dma_semaphore, #tpu.memory_space<semaphore_mem>> -> memref<!tpu.dma_semaphore, #tpu.memory_space<semaphore_mem>>
    %dma_start3A_279 = arith.constant 0 : i32
    %dma_start3A_280 = arith.constant 0 : i32
    %dma_start3A_281 = tpu.memref_slice %arg4[%dma_start3A_269, %dma_start3A_279, %dma_start3A_280] : memref<4x8x2048xf32, #tpu.memory_space<vmem>> -> memref<1x8x2048xf32, #tpu.memory_space<vmem>>
    %dma_start3A_282 = tpu.memref_squeeze %dma_start3A_281 : memref<1x8x2048xf32, #tpu.memory_space<vmem>> -> memref<8x2048xf32, #tpu.memory_space<vmem>>
    %dma_start3A_283 = arith.constant 0 : i32
    %dma_start3A_284 = tpu.memref_slice %arg2[%add3A_268, %dma_start3A_283] : memref<4096x2048xf32, #tpu.memory_space<hbm>> -> memref<8x2048xf32, #tpu.memory_space<hbm>>
    tpu.enqueue_dma source(%dma_start3A_284 : memref<8x2048xf32, #tpu.memory_space<hbm>>) target(%dma_start3A_282 : memref<8x2048xf32, #tpu.memory_space<vmem>>) target_semaphore(%dma_start3A_278 : memref<!tpu.dma_semaphore, #tpu.memory_space<semaphore_mem>>)
    %dma_wait3A_285 = arith.constant 0 : i32
    %dma_wait3A_286 = arith.constant 0 : i32
    %dma_wait3A_287 = arith.constant 0 : i32
    %dma_wait3A_288 = arith.constant 0 : i32
    %dma_wait3A_289 = tpu.memref_slice %arg4[%dma_wait3A_285, %dma_wait3A_287, %dma_wait3A_288] : memref<4x8x2048xf32, #tpu.memory_space<vmem>> -> memref<1x8x2048xf32, #tpu.memory_space<vmem>>
    %dma_wait3A_290 = tpu.memref_squeeze %dma_wait3A_289 : memref<1x8x2048xf32, #tpu.memory_space<vmem>> -> memref<8x2048xf32, #tpu.memory_space<vmem>>
    %dma_wait3A_291 = arith.constant 0 : i32
    %dma_wait3A_292 = tpu.memref_slice %arg2[%add3A_198, %dma_wait3A_291] : memref<4096x2048xf32, #tpu.memory_space<hbm>> -> memref<8x2048xf32, #tpu.memory_space<hbm>>
    %dma_wait3A_293 = tpu.memref_slice %arg5[%dma_wait3A_286] : memref<4x!tpu.dma_semaphore, #tpu.memory_space<semaphore_mem>> -> memref<1x!tpu.dma_semaphore, #tpu.memory_space<semaphore_mem>>
    %dma_wait3A_294 = tpu.memref_squeeze %dma_wait3A_293 : memref<1x!tpu.dma_semaphore, #tpu.memory_space<semaphore_mem>> -> memref<!tpu.dma_semaphore, #tpu.memory_space<semaphore_mem>>
    %dma_wait3A_295 = arith.constant 0 : i32
    %dma_wait3A_296 = arith.constant 0 : i32
    %dma_wait3A_297 = tpu.memref_slice %arg4[%dma_wait3A_285, %dma_wait3A_295, %dma_wait3A_296] : memref<4x8x2048xf32, #tpu.memory_space<vmem>> -> memref<1x8x2048xf32, #tpu.memory_space<vmem>>
    %dma_wait3A_298 = tpu.memref_squeeze %dma_wait3A_297 : memref<1x8x2048xf32, #tpu.memory_space<vmem>> -> memref<8x2048xf32, #tpu.memory_space<vmem>>
    %dma_wait3A_299 = arith.constant 0 : i32
    %dma_wait3A_300 = tpu.memref_slice %arg2[%add3A_198, %dma_wait3A_299] : memref<4096x2048xf32, #tpu.memory_space<hbm>> -> memref<8x2048xf32, #tpu.memory_space<hbm>>
    tpu.wait_dma2 semaphore(%dma_wait3A_294 : memref<!tpu.dma_semaphore, #tpu.memory_space<semaphore_mem>>) src(%dma_wait3A_300 : memref<8x2048xf32, #tpu.memory_space<hbm>>) dst(%dma_wait3A_298 : memref<8x2048xf32, #tpu.memory_space<vmem>>)
    %add3A_301 = arith.constant 0 : i32
    %add3A_302 = arith.addi %add3A_301, %mul3A_2 : i32
    %add3A_303 = arith.constant 32 : i32
    %add3A_304 = arith.addi %add3A_302, %add3A_303 : i32
    %dma_start3A_305 = arith.constant 0 : i32
    %dma_start3A_306 = arith.constant 0 : i32
    %dma_start3A_307 = arith.constant 0 : i32
    %dma_start3A_308 = arith.constant 0 : i32
    %dma_start3A_309 = tpu.memref_slice %arg4[%dma_start3A_305, %dma_start3A_307, %dma_start3A_308] : memref<4x8x2048xf32, #tpu.memory_space<vmem>> -> memref<1x8x2048xf32, #tpu.memory_space<vmem>>
    %dma_start3A_310 = tpu.memref_squeeze %dma_start3A_309 : memref<1x8x2048xf32, #tpu.memory_space<vmem>> -> memref<8x2048xf32, #tpu.memory_space<vmem>>
    %dma_start3A_311 = arith.constant 0 : i32
    %dma_start3A_312 = tpu.memref_slice %arg3[%add3A_304, %dma_start3A_311] : memref<2048x2048xf32, #tpu.memory_space<hbm>> -> memref<8x2048xf32, #tpu.memory_space<hbm>>
    %dma_start3A_313 = tpu.memref_slice %arg6[%dma_start3A_306] : memref<4x!tpu.dma_semaphore, #tpu.memory_space<semaphore_mem>> -> memref<1x!tpu.dma_semaphore, #tpu.memory_space<semaphore_mem>>
    %dma_start3A_314 = tpu.memref_squeeze %dma_start3A_313 : memref<1x!tpu.dma_semaphore, #tpu.memory_space<semaphore_mem>> -> memref<!tpu.dma_semaphore, #tpu.memory_space<semaphore_mem>>
    %dma_start3A_315 = arith.constant 0 : i32
    %dma_start3A_316 = tpu.memref_slice %arg3[%add3A_304, %dma_start3A_315] : memref<2048x2048xf32, #tpu.memory_space<hbm>> -> memref<8x2048xf32, #tpu.memory_space<hbm>>
    %dma_start3A_317 = arith.constant 0 : i32
    %dma_start3A_318 = arith.constant 0 : i32
    %dma_start3A_319 = tpu.memref_slice %arg4[%dma_start3A_305, %dma_start3A_317, %dma_start3A_318] : memref<4x8x2048xf32, #tpu.memory_space<vmem>> -> memref<1x8x2048xf32, #tpu.memory_space<vmem>>
    %dma_start3A_320 = tpu.memref_squeeze %dma_start3A_319 : memref<1x8x2048xf32, #tpu.memory_space<vmem>> -> memref<8x2048xf32, #tpu.memory_space<vmem>>
    tpu.enqueue_dma source(%dma_start3A_320 : memref<8x2048xf32, #tpu.memory_space<vmem>>) target(%dma_start3A_316 : memref<8x2048xf32, #tpu.memory_space<hbm>>) target_semaphore(%dma_start3A_314 : memref<!tpu.dma_semaphore, #tpu.memory_space<semaphore_mem>>)
    %dma_wait3A_321 = arith.constant 2 : i32
    %dma_wait3A_322 = arith.constant 2 : i32
    %dma_wait3A_323 = arith.constant 0 : i32
    %dma_wait3A_324 = arith.constant 0 : i32
    %dma_wait3A_325 = tpu.memref_slice %arg4[%dma_wait3A_321, %dma_wait3A_323, %dma_wait3A_324] : memref<4x8x2048xf32, #tpu.memory_space<vmem>> -> memref<1x8x2048xf32, #tpu.memory_space<vmem>>
    %dma_wait3A_326 = tpu.memref_squeeze %dma_wait3A_325 : memref<1x8x2048xf32, #tpu.memory_space<vmem>> -> memref<8x2048xf32, #tpu.memory_space<vmem>>
    %dma_wait3A_327 = arith.constant 0 : i32
    %dma_wait3A_328 = tpu.memref_slice %arg3[%add3A_164, %dma_wait3A_327] : memref<2048x2048xf32, #tpu.memory_space<hbm>> -> memref<8x2048xf32, #tpu.memory_space<hbm>>
    %dma_wait3A_329 = tpu.memref_slice %arg6[%dma_wait3A_322] : memref<4x!tpu.dma_semaphore, #tpu.memory_space<semaphore_mem>> -> memref<1x!tpu.dma_semaphore, #tpu.memory_space<semaphore_mem>>
    %dma_wait3A_330 = tpu.memref_squeeze %dma_wait3A_329 : memref<1x!tpu.dma_semaphore, #tpu.memory_space<semaphore_mem>> -> memref<!tpu.dma_semaphore, #tpu.memory_space<semaphore_mem>>
    %dma_wait3A_331 = arith.constant 0 : i32
    %dma_wait3A_332 = tpu.memref_slice %arg3[%add3A_164, %dma_wait3A_331] : memref<2048x2048xf32, #tpu.memory_space<hbm>> -> memref<8x2048xf32, #tpu.memory_space<hbm>>
    %dma_wait3A_333 = arith.constant 0 : i32
    %dma_wait3A_334 = arith.constant 0 : i32
    %dma_wait3A_335 = tpu.memref_slice %arg4[%dma_wait3A_321, %dma_wait3A_333, %dma_wait3A_334] : memref<4x8x2048xf32, #tpu.memory_space<vmem>> -> memref<1x8x2048xf32, #tpu.memory_space<vmem>>
    %dma_wait3A_336 = tpu.memref_squeeze %dma_wait3A_335 : memref<1x8x2048xf32, #tpu.memory_space<vmem>> -> memref<8x2048xf32, #tpu.memory_space<vmem>>
    tpu.wait_dma2 semaphore(%dma_wait3A_330 : memref<!tpu.dma_semaphore, #tpu.memory_space<semaphore_mem>>) src(%dma_wait3A_336 : memref<8x2048xf32, #tpu.memory_space<vmem>>) dst(%dma_wait3A_332 : memref<8x2048xf32, #tpu.memory_space<hbm>>)
    %add3A_337 = arith.constant 48 : i32
    %add3A_338 = arith.addi %mul3A_2, %add3A_337 : i32
    %dma_start3A_339 = arith.constant 2 : i32
    %dma_start3A_340 = arith.constant 2 : i32
    %dma_start3A_341 = arith.constant 0 : i32
    %dma_start3A_342 = arith.constant 0 : i32
    %dma_start3A_343 = tpu.memref_slice %arg4[%dma_start3A_339, %dma_start3A_341, %dma_start3A_342] : memref<4x8x2048xf32, #tpu.memory_space<vmem>> -> memref<1x8x2048xf32, #tpu.memory_space<vmem>>
    %dma_start3A_344 = tpu.memref_squeeze %dma_start3A_343 : memref<1x8x2048xf32, #tpu.memory_space<vmem>> -> memref<8x2048xf32, #tpu.memory_space<vmem>>
    %dma_start3A_345 = arith.constant 0 : i32
    %dma_start3A_346 = tpu.memref_slice %arg2[%add3A_338, %dma_start3A_345] : memref<4096x2048xf32, #tpu.memory_space<hbm>> -> memref<8x2048xf32, #tpu.memory_space<hbm>>
    %dma_start3A_347 = tpu.memref_slice %arg5[%dma_start3A_340] : memref<4x!tpu.dma_semaphore, #tpu.memory_space<semaphore_mem>> -> memref<1x!tpu.dma_semaphore, #tpu.memory_space<semaphore_mem>>
    %dma_start3A_348 = tpu.memref_squeeze %dma_start3A_347 : memref<1x!tpu.dma_semaphore, #tpu.memory_space<semaphore_mem>> -> memref<!tpu.dma_semaphore, #tpu.memory_space<semaphore_mem>>
    %dma_start3A_349 = arith.constant 0 : i32
    %dma_start3A_350 = arith.constant 0 : i32
    %dma_start3A_351 = tpu.memref_slice %arg4[%dma_start3A_339, %dma_start3A_349, %dma_start3A_350] : memref<4x8x2048xf32, #tpu.memory_space<vmem>> -> memref<1x8x2048xf32, #tpu.memory_space<vmem>>
    %dma_start3A_352 = tpu.memref_squeeze %dma_start3A_351 : memref<1x8x2048xf32, #tpu.memory_space<vmem>> -> memref<8x2048xf32, #tpu.memory_space<vmem>>
    %dma_start3A_353 = arith.constant 0 : i32
    %dma_start3A_354 = tpu.memref_slice %arg2[%add3A_338, %dma_start3A_353] : memref<4096x2048xf32, #tpu.memory_space<hbm>> -> memref<8x2048xf32, #tpu.memory_space<hbm>>
    tpu.enqueue_dma source(%dma_start3A_354 : memref<8x2048xf32, #tpu.memory_space<hbm>>) target(%dma_start3A_352 : memref<8x2048xf32, #tpu.memory_space<vmem>>) target_semaphore(%dma_start3A_348 : memref<!tpu.dma_semaphore, #tpu.memory_space<semaphore_mem>>)
    %dma_wait3A_355 = arith.constant 1 : i32
    %dma_wait3A_356 = arith.constant 1 : i32
    %dma_wait3A_357 = arith.constant 0 : i32
    %dma_wait3A_358 = arith.constant 0 : i32
    %dma_wait3A_359 = tpu.memref_slice %arg4[%dma_wait3A_355, %dma_wait3A_357, %dma_wait3A_358] : memref<4x8x2048xf32, #tpu.memory_space<vmem>> -> memref<1x8x2048xf32, #tpu.memory_space<vmem>>
    %dma_wait3A_360 = tpu.memref_squeeze %dma_wait3A_359 : memref<1x8x2048xf32, #tpu.memory_space<vmem>> -> memref<8x2048xf32, #tpu.memory_space<vmem>>
    %dma_wait3A_361 = arith.constant 0 : i32
    %dma_wait3A_362 = tpu.memref_slice %arg2[%add3A_268, %dma_wait3A_361] : memref<4096x2048xf32, #tpu.memory_space<hbm>> -> memref<8x2048xf32, #tpu.memory_space<hbm>>
    %dma_wait3A_363 = tpu.memref_slice %arg5[%dma_wait3A_356] : memref<4x!tpu.dma_semaphore, #tpu.memory_space<semaphore_mem>> -> memref<1x!tpu.dma_semaphore, #tpu.memory_space<semaphore_mem>>
    %dma_wait3A_364 = tpu.memref_squeeze %dma_wait3A_363 : memref<1x!tpu.dma_semaphore, #tpu.memory_space<semaphore_mem>> -> memref<!tpu.dma_semaphore, #tpu.memory_space<semaphore_mem>>
    %dma_wait3A_365 = arith.constant 0 : i32
    %dma_wait3A_366 = arith.constant 0 : i32
    %dma_wait3A_367 = tpu.memref_slice %arg4[%dma_wait3A_355, %dma_wait3A_365, %dma_wait3A_366] : memref<4x8x2048xf32, #tpu.memory_space<vmem>> -> memref<1x8x2048xf32, #tpu.memory_space<vmem>>
    %dma_wait3A_368 = tpu.memref_squeeze %dma_wait3A_367 : memref<1x8x2048xf32, #tpu.memory_space<vmem>> -> memref<8x2048xf32, #tpu.memory_space<vmem>>
    %dma_wait3A_369 = arith.constant 0 : i32
    %dma_wait3A_370 = tpu.memref_slice %arg2[%add3A_268, %dma_wait3A_369] : memref<4096x2048xf32, #tpu.memory_space<hbm>> -> memref<8x2048xf32, #tpu.memory_space<hbm>>
    tpu.wait_dma2 semaphore(%dma_wait3A_364 : memref<!tpu.dma_semaphore, #tpu.memory_space<semaphore_mem>>) src(%dma_wait3A_370 : memref<8x2048xf32, #tpu.memory_space<hbm>>) dst(%dma_wait3A_368 : memref<8x2048xf32, #tpu.memory_space<vmem>>)
    %add3A_371 = arith.constant 0 : i32
    %add3A_372 = arith.addi %add3A_371, %mul3A_2 : i32
    %add3A_373 = arith.constant 40 : i32
    %add3A_374 = arith.addi %add3A_372, %add3A_373 : i32
    %dma_start3A_375 = arith.constant 1 : i32
    %dma_start3A_376 = arith.constant 1 : i32
    %dma_start3A_377 = arith.constant 0 : i32
    %dma_start3A_378 = arith.constant 0 : i32
    %dma_start3A_379 = tpu.memref_slice %arg4[%dma_start3A_375, %dma_start3A_377, %dma_start3A_378] : memref<4x8x2048xf32, #tpu.memory_space<vmem>> -> memref<1x8x2048xf32, #tpu.memory_space<vmem>>
    %dma_start3A_380 = tpu.memref_squeeze %dma_start3A_379 : memref<1x8x2048xf32, #tpu.memory_space<vmem>> -> memref<8x2048xf32, #tpu.memory_space<vmem>>
    %dma_start3A_381 = arith.constant 0 : i32
    %dma_start3A_382 = tpu.memref_slice %arg3[%add3A_374, %dma_start3A_381] : memref<2048x2048xf32, #tpu.memory_space<hbm>> -> memref<8x2048xf32, #tpu.memory_space<hbm>>
    %dma_start3A_383 = tpu.memref_slice %arg6[%dma_start3A_376] : memref<4x!tpu.dma_semaphore, #tpu.memory_space<semaphore_mem>> -> memref<1x!tpu.dma_semaphore, #tpu.memory_space<semaphore_mem>>
    %dma_start3A_384 = tpu.memref_squeeze %dma_start3A_383 : memref<1x!tpu.dma_semaphore, #tpu.memory_space<semaphore_mem>> -> memref<!tpu.dma_semaphore, #tpu.memory_space<semaphore_mem>>
    %dma_start3A_385 = arith.constant 0 : i32
    %dma_start3A_386 = tpu.memref_slice %arg3[%add3A_374, %dma_start3A_385] : memref<2048x2048xf32, #tpu.memory_space<hbm>> -> memref<8x2048xf32, #tpu.memory_space<hbm>>
    %dma_start3A_387 = arith.constant 0 : i32
    %dma_start3A_388 = arith.constant 0 : i32
    %dma_start3A_389 = tpu.memref_slice %arg4[%dma_start3A_375, %dma_start3A_387, %dma_start3A_388] : memref<4x8x2048xf32, #tpu.memory_space<vmem>> -> memref<1x8x2048xf32, #tpu.memory_space<vmem>>
    %dma_start3A_390 = tpu.memref_squeeze %dma_start3A_389 : memref<1x8x2048xf32, #tpu.memory_space<vmem>> -> memref<8x2048xf32, #tpu.memory_space<vmem>>
    tpu.enqueue_dma source(%dma_start3A_390 : memref<8x2048xf32, #tpu.memory_space<vmem>>) target(%dma_start3A_386 : memref<8x2048xf32, #tpu.memory_space<hbm>>) target_semaphore(%dma_start3A_384 : memref<!tpu.dma_semaphore, #tpu.memory_space<semaphore_mem>>)
    %dma_wait3A_391 = arith.constant 3 : i32
    %dma_wait3A_392 = arith.constant 3 : i32
    %dma_wait3A_393 = arith.constant 0 : i32
    %dma_wait3A_394 = arith.constant 0 : i32
    %dma_wait3A_395 = tpu.memref_slice %arg4[%dma_wait3A_391, %dma_wait3A_393, %dma_wait3A_394] : memref<4x8x2048xf32, #tpu.memory_space<vmem>> -> memref<1x8x2048xf32, #tpu.memory_space<vmem>>
    %dma_wait3A_396 = tpu.memref_squeeze %dma_wait3A_395 : memref<1x8x2048xf32, #tpu.memory_space<vmem>> -> memref<8x2048xf32, #tpu.memory_space<vmem>>
    %dma_wait3A_397 = arith.constant 0 : i32
    %dma_wait3A_398 = tpu.memref_slice %arg3[%add3A_234, %dma_wait3A_397] : memref<2048x2048xf32, #tpu.memory_space<hbm>> -> memref<8x2048xf32, #tpu.memory_space<hbm>>
    %dma_wait3A_399 = tpu.memref_slice %arg6[%dma_wait3A_392] : memref<4x!tpu.dma_semaphore, #tpu.memory_space<semaphore_mem>> -> memref<1x!tpu.dma_semaphore, #tpu.memory_space<semaphore_mem>>
    %dma_wait3A_400 = tpu.memref_squeeze %dma_wait3A_399 : memref<1x!tpu.dma_semaphore, #tpu.memory_space<semaphore_mem>> -> memref<!tpu.dma_semaphore, #tpu.memory_space<semaphore_mem>>
    %dma_wait3A_401 = arith.constant 0 : i32
    %dma_wait3A_402 = tpu.memref_slice %arg3[%add3A_234, %dma_wait3A_401] : memref<2048x2048xf32, #tpu.memory_space<hbm>> -> memref<8x2048xf32, #tpu.memory_space<hbm>>
    %dma_wait3A_403 = arith.constant 0 : i32
    %dma_wait3A_404 = arith.constant 0 : i32
    %dma_wait3A_405 = tpu.memref_slice %arg4[%dma_wait3A_391, %dma_wait3A_403, %dma_wait3A_404] : memref<4x8x2048xf32, #tpu.memory_space<vmem>> -> memref<1x8x2048xf32, #tpu.memory_space<vmem>>
    %dma_wait3A_406 = tpu.memref_squeeze %dma_wait3A_405 : memref<1x8x2048xf32, #tpu.memory_space<vmem>> -> memref<8x2048xf32, #tpu.memory_space<vmem>>
    tpu.wait_dma2 semaphore(%dma_wait3A_400 : memref<!tpu.dma_semaphore, #tpu.memory_space<semaphore_mem>>) src(%dma_wait3A_406 : memref<8x2048xf32, #tpu.memory_space<vmem>>) dst(%dma_wait3A_402 : memref<8x2048xf32, #tpu.memory_space<hbm>>)
    %add3A_407 = arith.constant 56 : i32
    %add3A_408 = arith.addi %mul3A_2, %add3A_407 : i32
    %dma_start3A_409 = arith.constant 3 : i32
    %dma_start3A_410 = arith.constant 3 : i32
    %dma_start3A_411 = arith.constant 0 : i32
    %dma_start3A_412 = arith.constant 0 : i32
    %dma_start3A_413 = tpu.memref_slice %arg4[%dma_start3A_409, %dma_start3A_411, %dma_start3A_412] : memref<4x8x2048xf32, #tpu.memory_space<vmem>> -> memref<1x8x2048xf32, #tpu.memory_space<vmem>>
    %dma_start3A_414 = tpu.memref_squeeze %dma_start3A_413 : memref<1x8x2048xf32, #tpu.memory_space<vmem>> -> memref<8x2048xf32, #tpu.memory_space<vmem>>
    %dma_start3A_415 = arith.constant 0 : i32
    %dma_start3A_416 = tpu.memref_slice %arg2[%add3A_408, %dma_start3A_415] : memref<4096x2048xf32, #tpu.memory_space<hbm>> -> memref<8x2048xf32, #tpu.memory_space<hbm>>
    %dma_start3A_417 = tpu.memref_slice %arg5[%dma_start3A_410] : memref<4x!tpu.dma_semaphore, #tpu.memory_space<semaphore_mem>> -> memref<1x!tpu.dma_semaphore, #tpu.memory_space<semaphore_mem>>
    %dma_start3A_418 = tpu.memref_squeeze %dma_start3A_417 : memref<1x!tpu.dma_semaphore, #tpu.memory_space<semaphore_mem>> -> memref<!tpu.dma_semaphore, #tpu.memory_space<semaphore_mem>>
    %dma_start3A_419 = arith.constant 0 : i32
    %dma_start3A_420 = arith.constant 0 : i32
    %dma_start3A_421 = tpu.memref_slice %arg4[%dma_start3A_409, %dma_start3A_419, %dma_start3A_420] : memref<4x8x2048xf32, #tpu.memory_space<vmem>> -> memref<1x8x2048xf32, #tpu.memory_space<vmem>>
    %dma_start3A_422 = tpu.memref_squeeze %dma_start3A_421 : memref<1x8x2048xf32, #tpu.memory_space<vmem>> -> memref<8x2048xf32, #tpu.memory_space<vmem>>
    %dma_start3A_423 = arith.constant 0 : i32
    %dma_start3A_424 = tpu.memref_slice %arg2[%add3A_408, %dma_start3A_423] : memref<4096x2048xf32, #tpu.memory_space<hbm>> -> memref<8x2048xf32, #tpu.memory_space<hbm>>
    tpu.enqueue_dma source(%dma_start3A_424 : memref<8x2048xf32, #tpu.memory_space<hbm>>) target(%dma_start3A_422 : memref<8x2048xf32, #tpu.memory_space<vmem>>) target_semaphore(%dma_start3A_418 : memref<!tpu.dma_semaphore, #tpu.memory_space<semaphore_mem>>)
    %dma_wait3A_425 = arith.constant 2 : i32
    %dma_wait3A_426 = arith.constant 2 : i32
    %dma_wait3A_427 = arith.constant 0 : i32
    %dma_wait3A_428 = arith.constant 0 : i32
    %dma_wait3A_429 = tpu.memref_slice %arg4[%dma_wait3A_425, %dma_wait3A_427, %dma_wait3A_428] : memref<4x8x2048xf32, #tpu.memory_space<vmem>> -> memref<1x8x2048xf32, #tpu.memory_space<vmem>>
    %dma_wait3A_430 = tpu.memref_squeeze %dma_wait3A_429 : memref<1x8x2048xf32, #tpu.memory_space<vmem>> -> memref<8x2048xf32, #tpu.memory_space<vmem>>
    %dma_wait3A_431 = arith.constant 0 : i32
    %dma_wait3A_432 = tpu.memref_slice %arg2[%add3A_338, %dma_wait3A_431] : memref<4096x2048xf32, #tpu.memory_space<hbm>> -> memref<8x2048xf32, #tpu.memory_space<hbm>>
    %dma_wait3A_433 = tpu.memref_slice %arg5[%dma_wait3A_426] : memref<4x!tpu.dma_semaphore, #tpu.memory_space<semaphore_mem>> -> memref<1x!tpu.dma_semaphore, #tpu.memory_space<semaphore_mem>>
    %dma_wait3A_434 = tpu.memref_squeeze %dma_wait3A_433 : memref<1x!tpu.dma_semaphore, #tpu.memory_space<semaphore_mem>> -> memref<!tpu.dma_semaphore, #tpu.memory_space<semaphore_mem>>
    %dma_wait3A_435 = arith.constant 0 : i32
    %dma_wait3A_436 = arith.constant 0 : i32
    %dma_wait3A_437 = tpu.memref_slice %arg4[%dma_wait3A_425, %dma_wait3A_435, %dma_wait3A_436] : memref<4x8x2048xf32, #tpu.memory_space<vmem>> -> memref<1x8x2048xf32, #tpu.memory_space<vmem>>
    %dma_wait3A_438 = tpu.memref_squeeze %dma_wait3A_437 : memref<1x8x2048xf32, #tpu.memory_space<vmem>> -> memref<8x2048xf32, #tpu.memory_space<vmem>>
    %dma_wait3A_439 = arith.constant 0 : i32
    %dma_wait3A_440 = tpu.memref_slice %arg2[%add3A_338, %dma_wait3A_439] : memref<4096x2048xf32, #tpu.memory_space<hbm>> -> memref<8x2048xf32, #tpu.memory_space<hbm>>
    tpu.wait_dma2 semaphore(%dma_wait3A_434 : memref<!tpu.dma_semaphore, #tpu.memory_space<semaphore_mem>>) src(%dma_wait3A_440 : memref<8x2048xf32, #tpu.memory_space<hbm>>) dst(%dma_wait3A_438 : memref<8x2048xf32, #tpu.memory_space<vmem>>)
    %add3A_441 = arith.constant 0 : i32
    %add3A_442 = arith.addi %add3A_441, %mul3A_2 : i32
    %add3A_443 = arith.constant 48 : i32
    %add3A_444 = arith.addi %add3A_442, %add3A_443 : i32
    %dma_start3A_445 = arith.constant 2 : i32
    %dma_start3A_446 = arith.constant 2 : i32
    %dma_start3A_447 = arith.constant 0 : i32
    %dma_start3A_448 = arith.constant 0 : i32
    %dma_start3A_449 = tpu.memref_slice %arg4[%dma_start3A_445, %dma_start3A_447, %dma_start3A_448] : memref<4x8x2048xf32, #tpu.memory_space<vmem>> -> memref<1x8x2048xf32, #tpu.memory_space<vmem>>
    %dma_start3A_450 = tpu.memref_squeeze %dma_start3A_449 : memref<1x8x2048xf32, #tpu.memory_space<vmem>> -> memref<8x2048xf32, #tpu.memory_space<vmem>>
    %dma_start3A_451 = arith.constant 0 : i32
    %dma_start3A_452 = tpu.memref_slice %arg3[%add3A_444, %dma_start3A_451] : memref<2048x2048xf32, #tpu.memory_space<hbm>> -> memref<8x2048xf32, #tpu.memory_space<hbm>>
    %dma_start3A_453 = tpu.memref_slice %arg6[%dma_start3A_446] : memref<4x!tpu.dma_semaphore, #tpu.memory_space<semaphore_mem>> -> memref<1x!tpu.dma_semaphore, #tpu.memory_space<semaphore_mem>>
    %dma_start3A_454 = tpu.memref_squeeze %dma_start3A_453 : memref<1x!tpu.dma_semaphore, #tpu.memory_space<semaphore_mem>> -> memref<!tpu.dma_semaphore, #tpu.memory_space<semaphore_mem>>
    %dma_start3A_455 = arith.constant 0 : i32
    %dma_start3A_456 = tpu.memref_slice %arg3[%add3A_444, %dma_start3A_455] : memref<2048x2048xf32, #tpu.memory_space<hbm>> -> memref<8x2048xf32, #tpu.memory_space<hbm>>
    %dma_start3A_457 = arith.constant 0 : i32
    %dma_start3A_458 = arith.constant 0 : i32
    %dma_start3A_459 = tpu.memref_slice %arg4[%dma_start3A_445, %dma_start3A_457, %dma_start3A_458] : memref<4x8x2048xf32, #tpu.memory_space<vmem>> -> memref<1x8x2048xf32, #tpu.memory_space<vmem>>
    %dma_start3A_460 = tpu.memref_squeeze %dma_start3A_459 : memref<1x8x2048xf32, #tpu.memory_space<vmem>> -> memref<8x2048xf32, #tpu.memory_space<vmem>>
    tpu.enqueue_dma source(%dma_start3A_460 : memref<8x2048xf32, #tpu.memory_space<vmem>>) target(%dma_start3A_456 : memref<8x2048xf32, #tpu.memory_space<hbm>>) target_semaphore(%dma_start3A_454 : memref<!tpu.dma_semaphore, #tpu.memory_space<semaphore_mem>>)
    %dma_wait3A_461 = arith.constant 3 : i32
    %dma_wait3A_462 = arith.constant 3 : i32
    %dma_wait3A_463 = arith.constant 0 : i32
    %dma_wait3A_464 = arith.constant 0 : i32
    %dma_wait3A_465 = tpu.memref_slice %arg4[%dma_wait3A_461, %dma_wait3A_463, %dma_wait3A_464] : memref<4x8x2048xf32, #tpu.memory_space<vmem>> -> memref<1x8x2048xf32, #tpu.memory_space<vmem>>
    %dma_wait3A_466 = tpu.memref_squeeze %dma_wait3A_465 : memref<1x8x2048xf32, #tpu.memory_space<vmem>> -> memref<8x2048xf32, #tpu.memory_space<vmem>>
    %dma_wait3A_467 = arith.constant 0 : i32
    %dma_wait3A_468 = tpu.memref_slice %arg2[%add3A_408, %dma_wait3A_467] : memref<4096x2048xf32, #tpu.memory_space<hbm>> -> memref<8x2048xf32, #tpu.memory_space<hbm>>
    %dma_wait3A_469 = tpu.memref_slice %arg5[%dma_wait3A_462] : memref<4x!tpu.dma_semaphore, #tpu.memory_space<semaphore_mem>> -> memref<1x!tpu.dma_semaphore, #tpu.memory_space<semaphore_mem>>
    %dma_wait3A_470 = tpu.memref_squeeze %dma_wait3A_469 : memref<1x!tpu.dma_semaphore, #tpu.memory_space<semaphore_mem>> -> memref<!tpu.dma_semaphore, #tpu.memory_space<semaphore_mem>>
    %dma_wait3A_471 = arith.constant 0 : i32
    %dma_wait3A_472 = arith.constant 0 : i32
    %dma_wait3A_473 = tpu.memref_slice %arg4[%dma_wait3A_461, %dma_wait3A_471, %dma_wait3A_472] : memref<4x8x2048xf32, #tpu.memory_space<vmem>> -> memref<1x8x2048xf32, #tpu.memory_space<vmem>>
    %dma_wait3A_474 = tpu.memref_squeeze %dma_wait3A_473 : memref<1x8x2048xf32, #tpu.memory_space<vmem>> -> memref<8x2048xf32, #tpu.memory_space<vmem>>
    %dma_wait3A_475 = arith.constant 0 : i32
    %dma_wait3A_476 = tpu.memref_slice %arg2[%add3A_408, %dma_wait3A_475] : memref<4096x2048xf32, #tpu.memory_space<hbm>> -> memref<8x2048xf32, #tpu.memory_space<hbm>>
    tpu.wait_dma2 semaphore(%dma_wait3A_470 : memref<!tpu.dma_semaphore, #tpu.memory_space<semaphore_mem>>) src(%dma_wait3A_476 : memref<8x2048xf32, #tpu.memory_space<hbm>>) dst(%dma_wait3A_474 : memref<8x2048xf32, #tpu.memory_space<vmem>>)
    %add3A_477 = arith.constant 0 : i32
    %add3A_478 = arith.addi %add3A_477, %mul3A_2 : i32
    %add3A_479 = arith.constant 56 : i32
    %add3A_480 = arith.addi %add3A_478, %add3A_479 : i32
    %dma_start3A_481 = arith.constant 3 : i32
    %dma_start3A_482 = arith.constant 3 : i32
    %dma_start3A_483 = arith.constant 0 : i32
    %dma_start3A_484 = arith.constant 0 : i32
    %dma_start3A_485 = tpu.memref_slice %arg4[%dma_start3A_481, %dma_start3A_483, %dma_start3A_484] : memref<4x8x2048xf32, #tpu.memory_space<vmem>> -> memref<1x8x2048xf32, #tpu.memory_space<vmem>>
    %dma_start3A_486 = tpu.memref_squeeze %dma_start3A_485 : memref<1x8x2048xf32, #tpu.memory_space<vmem>> -> memref<8x2048xf32, #tpu.memory_space<vmem>>
    %dma_start3A_487 = arith.constant 0 : i32
    %dma_start3A_488 = tpu.memref_slice %arg3[%add3A_480, %dma_start3A_487] : memref<2048x2048xf32, #tpu.memory_space<hbm>> -> memref<8x2048xf32, #tpu.memory_space<hbm>>
    %dma_start3A_489 = tpu.memref_slice %arg6[%dma_start3A_482] : memref<4x!tpu.dma_semaphore, #tpu.memory_space<semaphore_mem>> -> memref<1x!tpu.dma_semaphore, #tpu.memory_space<semaphore_mem>>
    %dma_start3A_490 = tpu.memref_squeeze %dma_start3A_489 : memref<1x!tpu.dma_semaphore, #tpu.memory_space<semaphore_mem>> -> memref<!tpu.dma_semaphore, #tpu.memory_space<semaphore_mem>>
    %dma_start3A_491 = arith.constant 0 : i32
    %dma_start3A_492 = tpu.memref_slice %arg3[%add3A_480, %dma_start3A_491] : memref<2048x2048xf32, #tpu.memory_space<hbm>> -> memref<8x2048xf32, #tpu.memory_space<hbm>>
    %dma_start3A_493 = arith.constant 0 : i32
    %dma_start3A_494 = arith.constant 0 : i32
    %dma_start3A_495 = tpu.memref_slice %arg4[%dma_start3A_481, %dma_start3A_493, %dma_start3A_494] : memref<4x8x2048xf32, #tpu.memory_space<vmem>> -> memref<1x8x2048xf32, #tpu.memory_space<vmem>>
    %dma_start3A_496 = tpu.memref_squeeze %dma_start3A_495 : memref<1x8x2048xf32, #tpu.memory_space<vmem>> -> memref<8x2048xf32, #tpu.memory_space<vmem>>
    tpu.enqueue_dma source(%dma_start3A_496 : memref<8x2048xf32, #tpu.memory_space<vmem>>) target(%dma_start3A_492 : memref<8x2048xf32, #tpu.memory_space<hbm>>) target_semaphore(%dma_start3A_490 : memref<!tpu.dma_semaphore, #tpu.memory_space<semaphore_mem>>)
    %dma_wait3A_497 = arith.constant 0 : i32
    %dma_wait3A_498 = arith.constant 0 : i32
    %dma_wait3A_499 = arith.constant 0 : i32
    %dma_wait3A_500 = arith.constant 0 : i32
    %dma_wait3A_501 = tpu.memref_slice %arg4[%dma_wait3A_497, %dma_wait3A_499, %dma_wait3A_500] : memref<4x8x2048xf32, #tpu.memory_space<vmem>> -> memref<1x8x2048xf32, #tpu.memory_space<vmem>>
    %dma_wait3A_502 = tpu.memref_squeeze %dma_wait3A_501 : memref<1x8x2048xf32, #tpu.memory_space<vmem>> -> memref<8x2048xf32, #tpu.memory_space<vmem>>
    %dma_wait3A_503 = arith.constant 0 : i32
    %dma_wait3A_504 = tpu.memref_slice %arg3[%add3A_304, %dma_wait3A_503] : memref<2048x2048xf32, #tpu.memory_space<hbm>> -> memref<8x2048xf32, #tpu.memory_space<hbm>>
    %dma_wait3A_505 = tpu.memref_slice %arg6[%dma_wait3A_498] : memref<4x!tpu.dma_semaphore, #tpu.memory_space<semaphore_mem>> -> memref<1x!tpu.dma_semaphore, #tpu.memory_space<semaphore_mem>>
    %dma_wait3A_506 = tpu.memref_squeeze %dma_wait3A_505 : memref<1x!tpu.dma_semaphore, #tpu.memory_space<semaphore_mem>> -> memref<!tpu.dma_semaphore, #tpu.memory_space<semaphore_mem>>
    %dma_wait3A_507 = arith.constant 0 : i32
    %dma_wait3A_508 = tpu.memref_slice %arg3[%add3A_304, %dma_wait3A_507] : memref<2048x2048xf32, #tpu.memory_space<hbm>> -> memref<8x2048xf32, #tpu.memory_space<hbm>>
    %dma_wait3A_509 = arith.constant 0 : i32
    %dma_wait3A_510 = arith.constant 0 : i32
    %dma_wait3A_511 = tpu.memref_slice %arg4[%dma_wait3A_497, %dma_wait3A_509, %dma_wait3A_510] : memref<4x8x2048xf32, #tpu.memory_space<vmem>> -> memref<1x8x2048xf32, #tpu.memory_space<vmem>>
    %dma_wait3A_512 = tpu.memref_squeeze %dma_wait3A_511 : memref<1x8x2048xf32, #tpu.memory_space<vmem>> -> memref<8x2048xf32, #tpu.memory_space<vmem>>
    tpu.wait_dma2 semaphore(%dma_wait3A_506 : memref<!tpu.dma_semaphore, #tpu.memory_space<semaphore_mem>>) src(%dma_wait3A_512 : memref<8x2048xf32, #tpu.memory_space<vmem>>) dst(%dma_wait3A_508 : memref<8x2048xf32, #tpu.memory_space<hbm>>)
    %dma_wait3A_513 = arith.constant 1 : i32
    %dma_wait3A_514 = arith.constant 1 : i32
    %dma_wait3A_515 = arith.constant 0 : i32
    %dma_wait3A_516 = arith.constant 0 : i32
    %dma_wait3A_517 = tpu.memref_slice %arg4[%dma_wait3A_513, %dma_wait3A_515, %dma_wait3A_516] : memref<4x8x2048xf32, #tpu.memory_space<vmem>> -> memref<1x8x2048xf32, #tpu.memory_space<vmem>>
    %dma_wait3A_518 = tpu.memref_squeeze %dma_wait3A_517 : memref<1x8x2048xf32, #tpu.memory_space<vmem>> -> memref<8x2048xf32, #tpu.memory_space<vmem>>
    %dma_wait3A_519 = arith.constant 0 : i32
    %dma_wait3A_520 = tpu.memref_slice %arg3[%add3A_374, %dma_wait3A_519] : memref<2048x2048xf32, #tpu.memory_space<hbm>> -> memref<8x2048xf32, #tpu.memory_space<hbm>>
    %dma_wait3A_521 = tpu.memref_slice %arg6[%dma_wait3A_514] : memref<4x!tpu.dma_semaphore, #tpu.memory_space<semaphore_mem>> -> memref<1x!tpu.dma_semaphore, #tpu.memory_space<semaphore_mem>>
    %dma_wait3A_522 = tpu.memref_squeeze %dma_wait3A_521 : memref<1x!tpu.dma_semaphore, #tpu.memory_space<semaphore_mem>> -> memref<!tpu.dma_semaphore, #tpu.memory_space<semaphore_mem>>
    %dma_wait3A_523 = arith.constant 0 : i32
    %dma_wait3A_524 = tpu.memref_slice %arg3[%add3A_374, %dma_wait3A_523] : memref<2048x2048xf32, #tpu.memory_space<hbm>> -> memref<8x2048xf32, #tpu.memory_space<hbm>>
    %dma_wait3A_525 = arith.constant 0 : i32
    %dma_wait3A_526 = arith.constant 0 : i32
    %dma_wait3A_527 = tpu.memref_slice %arg4[%dma_wait3A_513, %dma_wait3A_525, %dma_wait3A_526] : memref<4x8x2048xf32, #tpu.memory_space<vmem>> -> memref<1x8x2048xf32, #tpu.memory_space<vmem>>
    %dma_wait3A_528 = tpu.memref_squeeze %dma_wait3A_527 : memref<1x8x2048xf32, #tpu.memory_space<vmem>> -> memref<8x2048xf32, #tpu.memory_space<vmem>>
    tpu.wait_dma2 semaphore(%dma_wait3A_522 : memref<!tpu.dma_semaphore, #tpu.memory_space<semaphore_mem>>) src(%dma_wait3A_528 : memref<8x2048xf32, #tpu.memory_space<vmem>>) dst(%dma_wait3A_524 : memref<8x2048xf32, #tpu.memory_space<hbm>>)
    %dma_wait3A_529 = arith.constant 2 : i32
    %dma_wait3A_530 = arith.constant 2 : i32
    %dma_wait3A_531 = arith.constant 0 : i32
    %dma_wait3A_532 = arith.constant 0 : i32
    %dma_wait3A_533 = tpu.memref_slice %arg4[%dma_wait3A_529, %dma_wait3A_531, %dma_wait3A_532] : memref<4x8x2048xf32, #tpu.memory_space<vmem>> -> memref<1x8x2048xf32, #tpu.memory_space<vmem>>
    %dma_wait3A_534 = tpu.memref_squeeze %dma_wait3A_533 : memref<1x8x2048xf32, #tpu.memory_space<vmem>> -> memref<8x2048xf32, #tpu.memory_space<vmem>>
    %dma_wait3A_535 = arith.constant 0 : i32
    %dma_wait3A_536 = tpu.memref_slice %arg3[%add3A_444, %dma_wait3A_535] : memref<2048x2048xf32, #tpu.memory_space<hbm>> -> memref<8x2048xf32, #tpu.memory_space<hbm>>
    %dma_wait3A_537 = tpu.memref_slice %arg6[%dma_wait3A_530] : memref<4x!tpu.dma_semaphore, #tpu.memory_space<semaphore_mem>> -> memref<1x!tpu.dma_semaphore, #tpu.memory_space<semaphore_mem>>
    %dma_wait3A_538 = tpu.memref_squeeze %dma_wait3A_537 : memref<1x!tpu.dma_semaphore, #tpu.memory_space<semaphore_mem>> -> memref<!tpu.dma_semaphore, #tpu.memory_space<semaphore_mem>>
    %dma_wait3A_539 = arith.constant 0 : i32
    %dma_wait3A_540 = tpu.memref_slice %arg3[%add3A_444, %dma_wait3A_539] : memref<2048x2048xf32, #tpu.memory_space<hbm>> -> memref<8x2048xf32, #tpu.memory_space<hbm>>
    %dma_wait3A_541 = arith.constant 0 : i32
    %dma_wait3A_542 = arith.constant 0 : i32
    %dma_wait3A_543 = tpu.memref_slice %arg4[%dma_wait3A_529, %dma_wait3A_541, %dma_wait3A_542] : memref<4x8x2048xf32, #tpu.memory_space<vmem>> -> memref<1x8x2048xf32, #tpu.memory_space<vmem>>
    %dma_wait3A_544 = tpu.memref_squeeze %dma_wait3A_543 : memref<1x8x2048xf32, #tpu.memory_space<vmem>> -> memref<8x2048xf32, #tpu.memory_space<vmem>>
    tpu.wait_dma2 semaphore(%dma_wait3A_538 : memref<!tpu.dma_semaphore, #tpu.memory_space<semaphore_mem>>) src(%dma_wait3A_544 : memref<8x2048xf32, #tpu.memory_space<vmem>>) dst(%dma_wait3A_540 : memref<8x2048xf32, #tpu.memory_space<hbm>>)
    %dma_wait3A_545 = arith.constant 3 : i32
    %dma_wait3A_546 = arith.constant 3 : i32
    %dma_wait3A_547 = arith.constant 0 : i32
    %dma_wait3A_548 = arith.constant 0 : i32
    %dma_wait3A_549 = tpu.memref_slice %arg4[%dma_wait3A_545, %dma_wait3A_547, %dma_wait3A_548] : memref<4x8x2048xf32, #tpu.memory_space<vmem>> -> memref<1x8x2048xf32, #tpu.memory_space<vmem>>
    %dma_wait3A_550 = tpu.memref_squeeze %dma_wait3A_549 : memref<1x8x2048xf32, #tpu.memory_space<vmem>> -> memref<8x2048xf32, #tpu.memory_space<vmem>>
    %dma_wait3A_551 = arith.constant 0 : i32
    %dma_wait3A_552 = tpu.memref_slice %arg3[%add3A_480, %dma_wait3A_551] : memref<2048x2048xf32, #tpu.memory_space<hbm>> -> memref<8x2048xf32, #tpu.memory_space<hbm>>
    %dma_wait3A_553 = tpu.memref_slice %arg6[%dma_wait3A_546] : memref<4x!tpu.dma_semaphore, #tpu.memory_space<semaphore_mem>> -> memref<1x!tpu.dma_semaphore, #tpu.memory_space<semaphore_mem>>
    %dma_wait3A_554 = tpu.memref_squeeze %dma_wait3A_553 : memref<1x!tpu.dma_semaphore, #tpu.memory_space<semaphore_mem>> -> memref<!tpu.dma_semaphore, #tpu.memory_space<semaphore_mem>>
    %dma_wait3A_555 = arith.constant 0 : i32
    %dma_wait3A_556 = tpu.memref_slice %arg3[%add3A_480, %dma_wait3A_555] : memref<2048x2048xf32, #tpu.memory_space<hbm>> -> memref<8x2048xf32, #tpu.memory_space<hbm>>
    %dma_wait3A_557 = arith.constant 0 : i32
    %dma_wait3A_558 = arith.constant 0 : i32
    %dma_wait3A_559 = tpu.memref_slice %arg4[%dma_wait3A_545, %dma_wait3A_557, %dma_wait3A_558] : memref<4x8x2048xf32, #tpu.memory_space<vmem>> -> memref<1x8x2048xf32, #tpu.memory_space<vmem>>
    %dma_wait3A_560 = tpu.memref_squeeze %dma_wait3A_559 : memref<1x8x2048xf32, #tpu.memory_space<vmem>> -> memref<8x2048xf32, #tpu.memory_space<vmem>>
    tpu.wait_dma2 semaphore(%dma_wait3A_554 : memref<!tpu.dma_semaphore, #tpu.memory_space<semaphore_mem>>) src(%dma_wait3A_560 : memref<8x2048xf32, #tpu.memory_space<vmem>>) dst(%dma_wait3A_556 : memref<8x2048xf32, #tpu.memory_space<hbm>>)
    return
  }
}

module attributes {stable_mosaic.version = 14 : i64} {
  func.func @_body(%arg0: i32, %arg1: memref<512x2048xf32, #tpu.memory_space<vmem>>, %arg2: memref<3x512x2048xf32, #tpu.memory_space<vmem>>) attributes {dimension_semantics = [#tpu.dimension_semantics<arbitrary>], iteration_bounds = array<i64: 4>, scalar_prefetch = 0 : i64, scratch_operands = 0 : i64, tpu.core_type = #tpu.core_type<tc>, window_params = [{transform_indices = @transform_0, window_bounds = array<i64: 512, 2048>}, {transform_indices = @transform_1, window_bounds = array<i64: 3, 512, 2048>}]} {
    %get3A = arith.constant 0 : index
    %get3A_0 = arith.constant 0 : index
    %get3A_1 = vector.load %arg1[%get3A, %get3A_0] : memref<512x2048xf32, #tpu.memory_space<vmem>>, vector<512x2048xf32>
    %broadcast_in_dim3A = vector.shape_cast %get3A_1 : vector<512x2048xf32> to vector<1x512x2048xf32>
    %broadcast_in_dim3A_2 = vector.shape_cast %broadcast_in_dim3A : vector<1x512x2048xf32> to vector<1x512x2048xf32>
    %broadcast_in_dim3A_3 = vector.broadcast %broadcast_in_dim3A_2 : vector<1x512x2048xf32> to vector<3x512x2048xf32>
    %swap3A = arith.constant 0 : index
    %swap3A_4 = arith.constant 0 : index
    %swap3A_5 = arith.constant 0 : index
    %swap3A_6 = vector.load %arg2[%swap3A, %swap3A_4, %swap3A_5] : memref<3x512x2048xf32, #tpu.memory_space<vmem>>, vector<3x512x2048xf32>
    tpu.vector_store %arg2[%swap3A, %swap3A_4, %swap3A_5], %broadcast_in_dim3A_3 {strides = array<i32>} : memref<3x512x2048xf32, #tpu.memory_space<vmem>>, vector<3x512x2048xf32>,
    return
  }
  func.func @transform_0(%arg0: i32) -> (i32, i32) {
    %c0_i32 = arith.constant 0 : i32
    %c0_i32_0 = arith.constant 0 : i32
    return %arg0, %c0_i32 : i32, i32
  }
  func.func @transform_1(%arg0: i32) -> (i32, i32, i32) {
    %c0_i32 = arith.constant 0 : i32
    %c0_i32_0 = arith.constant 0 : i32
    %c0_i32_1 = arith.constant 0 : i32
    return %c0_i32, %arg0, %c0_i32_0 : i32, i32, i32
  }
}

</mosaic_0001>

<sc_bundles>
// kernel: kernel.4.cloned.1.call-start
scs
__scs_entry_jumppad:
0x0: {  	(pc) =	sbr.rel $0x88, $3  }
0x1: {  	(tag) =	ssettag $0x0;
	lr =	simm.s32 $0x1  }
0x2: {  	[smem:$0x3FA0] =	sst lr;
	_ =	strace $0xD0000000  }
0x3: {  	_ = 	snop  }
0x4: {  	_ = 	snop  }
0x5: {  	_ = 	snop  }
0x6: {  	_ = 	snop  }
0x7: {  	_ = 	snop  }
__scs_overlays_trampoline_lowered:
0x8: {  	[smem:$0x3FAF] =	sst s0  }
0x9: {  	[smem:$0x3FB0] =	sst s1  }
0xa: {  	[smem:$0x3FB1] =	sst s2  }
0xb: {  	[smem:$0x3FB2] =	sst s3  }
0xc: {  	[smem:$0x3FB3] =	sst s4  }
0xd: {  	[smem:$0x3FB4] =	sst s5  }
0xe: {  	[smem:$0x3FB5] =	sst s6  }
0xf: {  	[smem:$0x3FB6] =	sst s7  }
0x10: {  	[smem:$0x3FB7] =	sst s8  }
0x11: {  	[smem:$0x3FB8] =	sst s9;
	s0 =	simm.s32 @!p0 $0x0  }
0x12: {  	s1 =	sld [smem:$0x3F9E];
	s0 =	simm.s32 @p0 $0x1  }
0x13: {  	[smem:$0x3FB9] =	sst s0;
	s0 =	simm.s32 @!p1 $0x0  }
0x14: {  	s2 =	sld [smem:$0x3F9D];
	s0 =	simm.s32 @p1 $0x1  }
0x15: {  	[smem:$0x3FBA] =	sst s0;
	s0 =	simm.s32 @!p2 $0x0  }
0x16: {  	s3 =	sld [smem:$0x3FDB];
	s0 =	simm.s32 @p2 $0x1  }
0x17: {  	s4 =	simm.s32 $0x1BF5;
	[smem:$0x3FBC] =	sst s0  }
0x18: {  	s0 =	sld [smem:$0x3F9F];
	_ =	swait.ge [sflag:s4], $0x0  }
0x19: {  	s7 =	sld [smem:$0x3FA0]  }
0x1a: {  	s8 =	sadd.s32 $0xFFFFE003, lr  }
0x1b: {  	s9 =	sadd.s32 $0xFFFFFEF7, lr;
	s5 =	simm.s32 $0xFFFFFFFF;
	p2 =	slt.u32 s8, $0xFFFFF086  }
0x1c: {  	p1 =	slt.u32 s9, $0xF7A;
	s5 =	simm.s32 @!p2 $0x0  }
0x1d: {  	s5 =	simm.s32 @p1 $0x1;
	p0 =	seq.s32 s7, s2  }
0x1e: {  	s7 =	smul.u32 @!p0 $0xF7A, s2;
	p2 =	seq.s32 @!p0 s5, $0x0  }
0x1f: {  	s9 =	smul.u32 $0xF7A, s1;
	s8 =	simm.s32 @!p0 $0x1BF5;
	p2 =	por !p2, p0  }
0x20: {  	[sflag:s8] =	ssyncset.s32 @!p0 $0xFFFFF086;
	s6 =	sadd.s32 @!p0 s3, s7;
	s7 =	simm.s32 @!p0 $0x108  }
0x21: {  	s3 =	sadd.s32 s3, s9;
	s6 =	sadd.s32 @!p0 $0x88, s6;
	s7 =	simm.s32 @p2 $0x1082  }
0x22: {  	[simem:s7], [sflag:s8] =	dma.local @!p0 [hbm:s6], $0xF7A  }
0x23: {  	s9 =	sor.u32 $0xD0000000, s2;
	s6 =	simm.s32 $0x108;
	_ =	swait.ge @!p0 [sflag:s8], $0x0  }
0x24: {  	s3 =	sadd.s32 $0x88, s3;
	s6 =	simm.s32 @!p1 $0x1082;
	[sflag:s4] =	ssyncset.s32 $0xFFFFF086  }
0x25: {  	[simem:s6], [sflag:s4] =	dma.local [hbm:s3], $0xF7A  }
0x26: {  	[smem:$0x3FA0] =	sst s1;
	(tag) =	ssettag s2;
	_ =	strace s9  }
0x27: {  	s1 =	sld [smem:$0x3FB0]  }
0x28: {  	s2 =	sld [smem:$0x3FB1]  }
0x29: {  	s4 =	sld [smem:$0x3FB3]  }
0x2a: {  	p0 =	seq.s32 s5, $0x0;
	s5 =	sld [smem:$0x3FB4]  }
0x2b: {  	s6 =	sld [smem:$0x3FB5]  }
0x2c: {  	s7 =	sld [smem:$0x3FB6]  }
0x2d: {  	s3 =	simm.s32 $0x108;
	s8 =	sld [smem:$0x3FB7]  }
0x2e: {  	s3 =	simm.s32 @!p0 $0x1082;
	s9 =	sld [smem:$0x3FB8]  }
0x2f: {  	lr =	sadd.s32 s0, s3;
	s0 =	sld [smem:$0x3FAF]  }
0x30: {  	s3 =	sld [smem:$0x3FB2]  }
0x31: {  	[smem:$0x3FBB] =	sst s10  }
0x32: {  	s10 =	sld [smem:$0x3FB9];
	_ =	sdelay $0x3  }
0x33: {  	p0 =	seq.s32 s10, $0x1;
	s10 =	sld [smem:$0x3FBB];
	_ =	sdelay $0x3  }
0x34: {  	[smem:$0x3FBB] =	sst s10  }
0x35: {  	s10 =	sld [smem:$0x3FBA];
	_ =	sdelay $0x3  }
0x36: {  	p1 =	seq.s32 s10, $0x1;
	s10 =	sld [smem:$0x3FBB];
	_ =	sdelay $0x3  }
0x37: {  	[smem:$0x3FBB] =	sst s10  }
0x38: {  	s10 =	sld [smem:$0x3FBC]  }
0x39: {  	_ = 	snop;
	(pc) =	sbr.ind lr, $3  }
0x3a: {  	_ = 	snop  }
0x3b: {  	_ = 	snop  }
0x3c: {  	p2 =	seq.s32 s10, $0x1;
	s10 =	sld [smem:$0x3FBB]  }
0x3d: {  	_ =	shalt  }
0x3e: {  	_ =	shalt  }
0x3f: {  	_ =	shalt  }
0x40: {  	_ =	shalt  }
0x41: {  	_ =	shalt  }
0x42: {  	_ =	shalt  }
0x43: {  	_ =	shalt  }
0x44: {  	_ =	shalt  }
0x45: {  	_ =	shalt  }
0x46: {  	_ =	shalt  }
0x47: {  	_ =	shalt  }
0x48: {  	_ =	shalt  }
0x49: {  	_ =	shalt  }
0x4a: {  	_ =	shalt  }
0x4b: {  	_ =	shalt  }
0x4c: {  	_ =	shalt  }
0x4d: {  	_ =	shalt  }
0x4e: {  	_ =	shalt  }
0x4f: {  	_ =	shalt  }
0x50: {  	_ =	shalt  }
0x51: {  	_ =	shalt  }
0x52: {  	_ =	shalt  }
0x53: {  	_ =	shalt  }
0x54: {  	_ =	shalt  }
0x55: {  	_ =	shalt  }
0x56: {  	_ =	shalt  }
0x57: {  	_ =	shalt  }
0x58: {  	_ =	shalt  }
0x59: {  	_ =	shalt  }
0x5a: {  	_ =	shalt  }
0x5b: {  	_ =	shalt  }
0x5c: {  	_ =	shalt  }
0x5d: {  	_ =	shalt  }
0x5e: {  	_ =	shalt  }
0x5f: {  	_ =	shalt  }
0x60: {  	_ =	shalt  }
0x61: {  	_ =	shalt  }
0x62: {  	_ =	shalt  }
0x63: {  	_ =	shalt  }
0x64: {  	_ =	shalt  }
0x65: {  	_ =	shalt  }
0x66: {  	_ =	shalt  }
0x67: {  	_ =	shalt  }
0x68: {  	_ =	shalt  }
0x69: {  	_ =	shalt  }
0x6a: {  	_ =	shalt  }
0x6b: {  	_ =	shalt  }
0x6c: {  	_ =	shalt  }
0x6d: {  	_ =	shalt  }
0x6e: {  	_ =	shalt  }
0x6f: {  	_ =	shalt  }
0x70: {  	_ =	shalt  }
0x71: {  	_ =	shalt  }
0x72: {  	_ =	shalt  }
0x73: {  	_ =	shalt  }
0x74: {  	_ =	shalt  }
0x75: {  	_ =	shalt  }
0x76: {  	_ =	shalt  }
0x77: {  	_ =	shalt  }
0x78: {  	_ =	shalt  }
0x79: {  	_ =	shalt  }
0x7a: {  	_ =	shalt  }
0x7b: {  	_ =	shalt  }
0x7c: {  	_ =	shalt  }
0x7d: {  	_ =	shalt  }
0x7e: {  	_ =	shalt  }
0x7f: {  	_ =	shalt  }
0x80: {  	_ =	shalt  }
0x81: {  	_ =	shalt  }
0x82: {  	_ =	shalt  }
0x83: {  	_ =	shalt  }
0x84: {  	_ =	shalt  }
0x85: {  	_ =	shalt  }
0x86: {  	_ =	shalt  }
0x87: {  	_ =	shalt  }
.Lfunc_end0:
.L_simem_size_0:
called_computation_lowered:
.L_overlay_start_0:
0x88: {  	s2 =	sld [smem:$0x3FD9]  }
0x89: {  	s3 =	sld [smem:$0x3FFE];
	_ =	sdelay $0x1  }
0x8a: {  	s1 =	srdreg.scid  }
0x8b: {  	s0 =	sand.u32 $0x1, s1  }
0x8c: {  	s17 =	sshll.u32 s0, $0xA;
	s2 =	sadd.s32 s3, s2  }
0x8d: {  	s2 =	sadd.s32 s2, s17  }
0x8e: {  	[smem:$0x3FC7] =	sst s2  }
0x8f: {  	_ = 	snop  }
0x90: {  	s2 =	sld [smem:$0x3FC9];
	(tm) =	ssettm $0x1  }
0x91: {  	s18 =	sld [smem:$0x3FFB];
	_ =	sdelay $0x3  }
0x92: {  	_ =	strace s18  }
0x93: {  	s3 =	sld [smem:$0x3FFC];
	_ =	sdelay $0x3  }
0x94: {  	_ =	strace s3  }
0x95: {  	s3 =	sld [smem:$0x3FFD];
	_ =	sdelay $0x3  }
0x96: {  	_ =	strace s3  }
0x97: {  	_ =	strace $0x8FFFFFFF  }
0x98: {  	s19 =	sld [smem:$0x3FDB];
	_ =	sdelay $0x1  }
0x99: {  	s4 =	simm.s32 $_scs_section_size  }
0x9a: {  	s5 =	simm.s32 $_size__tile_overlayer_lowered;
	s6 =	simm.s32 $_tile_overlayer_lowered  }
0x9b: {  	s22 =	simm.s32 $0x1BFF;
	s21 =	sshll.u32 s6, $0x1;
	s3 =	sadd.s32 s4, s19  }
0x9c: {  	s7 =	simm.s32 $0x0;
	s20 =	sshll.u32 s5, $0x1;
	s5 =	sadd.s32 s21, s3  }
0x9d: {  	[timem:s7], [sflag:s22] =	dma.local [hbm:s5], s20  }
0x9e: {  	_ =	swait.ge [sflag:s22], s20  }
0x9f: {  	s4 =	ssub.s32 $0x0, s20;
	[sflag:s22] =	ssyncset.done $0x0  }
0xa0: {  	[sflag:s22] =	ssyncadd.s32 s4;
	_ =	sdelay $0x1  }
0xa1: {  	s23 =	simm.s32 $0x1B8B  }
0xa2: {  	_ =	swait.ge [sflag:s23], $0x1  }
0xa3: {  	[sflag:s23] =	ssyncset.done $0x0  }
0xa4: {  	s25 =	simm.s32 $0x1B8E;
	s24 =	sld [smem:$0x3FFE];
	[sflag:s23] =	ssyncadd.s32 $0xFFFFFFFF  }
0xa5: {  	s26 =	simm.s32 $execute0_lowered;
	[smem:$0x3FD2] =	sst s25  }
0xa6: {  	s5 =	sshll.u32 s26, $0x1;
	_ =	strace $0x80000046;
	[dreg:$0x1] =	wrdreg $0xFFFFFFFF  }
0xa7: {  	s28 =	simm.s32 $_size_execute0_lowered;
	s3 =	sadd.s32 s3, s5;
	[dreg:$0x0] =	wrdreg $0x0  }
0xa8: {  	s5 =	sshll.u32 s28, $0x1;
	[dreg:$0x2] =	wrdreg s3  }
0xa9: {  	[dreg:$0x3] =	wrdreg s5  }
0xaa: {  	[dreg:$0x4] =	wrdreg $0xC0  }
0xab: {  	_ =	task [dreg:s7], $0x5FFFF  }
0xac: {  	[dreg:$0x1] =	wrdreg $0xFFFFFFFF  }
0xad: {  	[dreg:$0x0] =	wrdreg $0x60  }
0xae: {  	[dreg:$0x2] =	wrdreg s2  }
0xaf: {  	[dreg:$0x3] =	wrdreg s24  }
0xb0: {  	[dreg:$0x4] =	wrdreg $0x9  }
0xb1: {  	_ =	task.clear_ibuf [dreg:s7], $0x5FFFF;
	_ =	strace $0x90000046  }
0xb2: {  	s29 =	simm.s32 $0x9;
	_ =	strace $0x80000048  }
0xb3: {  	_ =	swait.ge [sflag:s29], $0x1  }
0xb4: {  	[sflag:s29] =	ssyncadd.s32 $0xFFFFFFFF  }
0xb5: {  	_ =	strace $0x90000048  }
0xb6: {  	_ =	sfence  }
0xb7: {  	s30 =	sld [smem:$0x0];
	_ =	sdelay $0x2  }
0xb8: {  	s31 =	sshll.u32 s1, $0xD;
	s1 =	sshrl.u32 s1, $0x2  }
0xb9: {  	s3 =	sand.u32 $0x4000, s31;
	s1 =	sadd.s32 s1, s30  }
0xba: {  	s0 =	sor.u32 s3, s0;
	s1 =	sshll.u32 s1, $0x11  }
0xbb: {  	s0 =	sor.u32 s1, s0  }
0xbc: {  	s0 =	sadd.s32 $0x8F2B, s0  }
0xbd: {  	[sflag:s0] =	ssyncadd.remote.s32 $0x1  }
0xbe: {  	_ =	sfence.sel $0xFFFF  }
0xbf: {  	[dreg:$0x0] =	wrdreg $0xFFFFFFFF;
	(pc) =	sbr.abs _section_cstart, $3  }
0xc0: {  	[dreg:$0x1] =	wrdreg $0xFFFFFFFF  }
0xc1: {  	_ =	task.clear_ibuf [dreg:s7], $0x2FFFF;
	_ =	strace $0x9FFFFFFF  }
0xc2: {  	(tm) =	ssettm $0x7FFFFFFF  }
0xc3: {  	_ =	shalt  }
tec
execute0_lowered:
.L_overlay_start_1:
0x0: {  	(tag) =	ssettag $0x1  }
0x1: {  	s28 =	rddreg [dreg:$0x0];
	s2 =	srdreg.scid  }
0x2: {  	s7 =	rddreg [dreg:$0x1];
	s0 =	stileid.u32;
	s31 =	sand.u32 $0x1, s2  }
0x3: {  	s2 =	simm.s32 $0x0;
	s3 =	sshll.u32 s0, $0xF;
	s4 =	sshll.u32 s31, $0xE  }
0x4: {  	[smem:$0x7FF] =	sst s2;
	s29 =	sor.u32 s4, s3  }
0x5: {  	_ =	strace $0x80000047;
	s3 =	sadd.s32 s28, s29;
	s11 =	sor.u32 $0x800, s29  }
0x6: {  	[tilespmem:s2], [sflag:$0x1] =	stream.linear.gather [hbm4b:s3+s2], $0x4000, $0x38;
	[tilespmem:$0x10000] =	vst v63  }
0x7: {  	s5 =	simm.s32 $0x4000;
	s6 =	simm.s32 $0x1;
	s4 =	sadd.s32 s28, s11  }
0x8: {  	[tilespmem:s5], [sflag:$0x2] =	stream.linear.gather [hbm4b:s4+s2], $0x4000, $0x38;
	[tilespmem:$0x10000] =	vst v63  }
0x9: {  	_ =	swait.ge [sflag:s6], $0x4000  }
0xa: {  	s30 =	sadd.s32 $0x400, s7;
	[sflag:s6] =	ssyncset.done $0x0  }
0xb: {  	s7 =	sadd.s32 s30, s29;
	s15 =	sor.u32 $0x1000, s29;
	[sflag:s6] =	ssyncadd.s32 $0xFFFFC000  }
0xc: {  	[hbm4b:s7+s2] =	stream.linear.scatter [tilespmem:s2], [sflag:$0x5], $0x4000, $0x38;
	[tilespmem:$0x10000] =	vst v63  }
0xd: {  	s9 =	simm.s32 $0x8000;
	s10 =	simm.s32 $0x2;
	s8 =	sadd.s32 s28, s15  }
0xe: {  	[tilespmem:s9], [sflag:$0x3] =	stream.linear.gather [hbm4b:s8+s2], $0x4000, $0x38;
	[tilespmem:$0x10000] =	vst v63  }
0xf: {  	_ =	swait.ge [sflag:s10], $0x4000  }
0x10: {  	[sflag:s10] =	ssyncset.done $0x0  }
0x11: {  	s19 =	sor.u32 $0x1800, s29;
	s11 =	sadd.s32 s30, s11;
	[sflag:s10] =	ssyncadd.s32 $0xFFFFC000  }
0x12: {  	[hbm4b:s11+s2] =	stream.linear.scatter [tilespmem:s5], [sflag:$0x6], $0x4000, $0x38;
	[tilespmem:$0x10000] =	vst v63  }
0x13: {  	s13 =	simm.s32 $0xC000;
	s14 =	simm.s32 $0x3;
	s12 =	sadd.s32 s28, s19  }
0x14: {  	[tilespmem:s13], [sflag:$0x4] =	stream.linear.gather [hbm4b:s12+s2], $0x4000, $0x38;
	[tilespmem:$0x10000] =	vst v63  }
0x15: {  	_ =	swait.ge [sflag:s14], $0x4000  }
0x16: {  	[sflag:s14] =	ssyncset.done $0x0  }
0x17: {  	s16 =	simm.s32 $0x5;
	s15 =	sadd.s32 s30, s15;
	[sflag:s14] =	ssyncadd.s32 $0xFFFFC000  }
0x18: {  	[hbm4b:s15+s2] =	stream.linear.scatter [tilespmem:s9], [sflag:$0x7], $0x4000, $0x38;
	[tilespmem:$0x10000] =	vst v63  }
0x19: {  	_ =	swait.ge [sflag:s16], $0x4000  }
0x1a: {  	s22 =	sor.u32 $0x2000, s29;
	[sflag:s16] =	ssyncset.done $0x0  }
0x1b: {  	s18 =	simm.s32 $0x4;
	s17 =	sadd.s32 s28, s22;
	[sflag:s16] =	ssyncadd.s32 $0xFFFFC000  }
0x1c: {  	[tilespmem:s2], [sflag:$0x1] =	stream.linear.gather [hbm4b:s17+s2], $0x4000, $0x38;
	[tilespmem:$0x10000] =	vst v63  }
0x1d: {  	_ =	swait.ge [sflag:s18], $0x4000  }
0x1e: {  	[sflag:s18] =	ssyncset.done $0x0  }
0x1f: {  	s20 =	simm.s32 $0x6;
	s19 =	sadd.s32 s30, s19;
	[sflag:s18] =	ssyncadd.s32 $0xFFFFC000  }
0x20: {  	[hbm4b:s19+s2] =	stream.linear.scatter [tilespmem:s13], [sflag:$0x8], $0x4000, $0x38;
	[tilespmem:$0x10000] =	vst v63  }
0x21: {  	_ =	swait.ge [sflag:s20], $0x4000  }
0x22: {  	s25 =	sor.u32 $0x2800, s29;
	[sflag:s20] =	ssyncset.done $0x0  }
0x23: {  	s21 =	sadd.s32 s28, s25;
	[sflag:s20] =	ssyncadd.s32 $0xFFFFC000  }
0x24: {  	[tilespmem:s5], [sflag:$0x2] =	stream.linear.gather [hbm4b:s21+s2], $0x4000, $0x38;
	[tilespmem:$0x10000] =	vst v63  }
0x25: {  	_ =	swait.ge [sflag:s6], $0x4000  }
0x26: {  	[sflag:s6] =	ssyncset.done $0x0  }
0x27: {  	s23 =	simm.s32 $0x7;
	s22 =	sadd.s32 s30, s22;
	[sflag:s6] =	ssyncadd.s32 $0xFFFFC000  }
0x28: {  	[hbm4b:s22+s2] =	stream.linear.scatter [tilespmem:s2], [sflag:$0x5], $0x4000, $0x38;
	[tilespmem:$0x10000] =	vst v63  }
0x29: {  	_ =	swait.ge [sflag:s23], $0x4000  }
0x2a: {  	s0 =	sor.u32 $0x3000, s29;
	[sflag:s23] =	ssyncset.done $0x0  }
0x2b: {  	s24 =	sadd.s32 s28, s0;
	[sflag:s23] =	ssyncadd.s32 $0xFFFFC000  }
0x2c: {  	[tilespmem:s9], [sflag:$0x3] =	stream.linear.gather [hbm4b:s24+s2], $0x4000, $0x38;
	[tilespmem:$0x10000] =	vst v63  }
0x2d: {  	_ =	swait.ge [sflag:s10], $0x4000  }
0x2e: {  	[sflag:s10] =	ssyncset.done $0x0  }
0x2f: {  	s26 =	simm.s32 $0x8;
	s25 =	sadd.s32 s30, s25;
	[sflag:s10] =	ssyncadd.s32 $0xFFFFC000  }
0x30: {  	[hbm4b:s25+s2] =	stream.linear.scatter [tilespmem:s5], [sflag:$0x6], $0x4000, $0x38;
	[tilespmem:$0x10000] =	vst v63  }
0x31: {  	_ =	swait.ge [sflag:s26], $0x4000  }
0x32: {  	s1 =	sor.u32 $0x3800, s29;
	[sflag:s26] =	ssyncset.done $0x0  }
0x33: {  	s28 =	sadd.s32 s28, s1;
	[sflag:s26] =	ssyncadd.s32 $0xFFFFC000  }
0x34: {  	[tilespmem:s13], [sflag:$0x4] =	stream.linear.gather [hbm4b:s28+s2], $0x4000, $0x38;
	[tilespmem:$0x10000] =	vst v63  }
0x35: {  	_ =	swait.ge [sflag:s14], $0x4000  }
0x36: {  	[sflag:s14] =	ssyncset.done $0x0  }
0x37: {  	s29 =	sadd.s32 s30, s0;
	[sflag:s14] =	ssyncadd.s32 $0xFFFFC000  }
0x38: {  	[hbm4b:s29+s2] =	stream.linear.scatter [tilespmem:s9], [sflag:$0x7], $0x4000, $0x38;
	[tilespmem:$0x10000] =	vst v63  }
0x39: {  	_ =	swait.ge [sflag:s18], $0x4000  }
0x3a: {  	[sflag:s18] =	ssyncset.done $0x0  }
0x3b: {  	s30 =	sadd.s32 s30, s1;
	[sflag:s18] =	ssyncadd.s32 $0xFFFFC000  }
0x3c: {  	[hbm4b:s30+s2] =	stream.linear.scatter [tilespmem:s13], [sflag:$0x8], $0x4000, $0x38;
	[tilespmem:$0x10000] =	vst v63  }
0x3d: {  	_ =	swait.ge [sflag:s16], $0x4000  }
0x3e: {  	s0 =	ssub.s32 $0x2, s31;
	[sflag:s16] =	ssyncset.done $0x0  }
0x3f: {  	s1 =	sshrl.u32 s0, $0x1;
	[sflag:s16] =	ssyncadd.s32 $0xFFFFC000  }
0x40: {  	s0 =	ssub.s32 s0, s1;
	_ =	swait.ge [sflag:s20], $0x4000  }
0x41: {  	s0 =	smax.u32 s0, $0x1;
	[sflag:s20] =	ssyncset.done $0x0  }
0x42: {  	p0 =	sne.s32 s0, $0x1;
	[sflag:s20] =	ssyncadd.s32 $0xFFFFC000  }
.Ltmp0:
0x43: {  	_ =	swait.ge [sflag:s23], $0x4000;
	(pc) =	sbr.rel @!p0 .LBB2_2-.Ltmp0, $4  }
0x44: {  	[sflag:s23] =	ssyncset.done $0x0  }
0x45: {  	[sflag:s23] =	ssyncadd.s32 $0xFFFFC000  }
0x46: {  	_ =	swait.ge [sflag:s26], $0x4000  }
0x47: {  	s31 =	sadd.s32 $0xFFFFFFFF, s0;
	[sflag:s26] =	ssyncset.done $0x0  }
.LBB2_1:
0x48: {  	p0 =	sne.s32 s31, $0x1;
	s31 =	sadd.s32 $0xFFFFFFFF, s31;
	[sflag:s26] =	ssyncadd.s32 $0xFFFFC000  }
0x49: {  	[tilespmem:s2], [sflag:$0x1] =	stream.linear.gather [hbm4b:s3+s2], $0x4000, $0x38;
	[tilespmem:$0x10000] =	vst v63  }
0x4a: {  	_ = 	snop  }
0x4b: {  	[tilespmem:s5], [sflag:$0x2] =	stream.linear.gather [hbm4b:s4+s2], $0x4000, $0x38;
	[tilespmem:$0x10000] =	vst v63  }
0x4c: {  	_ =	swait.ge [sflag:s6], $0x4000  }
0x4d: {  	[sflag:s6] =	ssyncset.done $0x0  }
0x4e: {  	[sflag:s6] =	ssyncadd.s32 $0xFFFFC000  }
0x4f: {  	[hbm4b:s7+s2] =	stream.linear.scatter [tilespmem:s2], [sflag:$0x5], $0x4000, $0x38;
	[tilespmem:$0x10000] =	vst v63  }
0x50: {  	_ = 	snop  }
0x51: {  	[tilespmem:s9], [sflag:$0x3] =	stream.linear.gather [hbm4b:s8+s2], $0x4000, $0x38;
	[tilespmem:$0x10000] =	vst v63  }
0x52: {  	_ =	swait.ge [sflag:s10], $0x4000  }
0x53: {  	[sflag:s10] =	ssyncset.done $0x0  }
0x54: {  	[sflag:s10] =	ssyncadd.s32 $0xFFFFC000  }
0x55: {  	[hbm4b:s11+s2] =	stream.linear.scatter [tilespmem:s5], [sflag:$0x6], $0x4000, $0x38;
	[tilespmem:$0x10000] =	vst v63  }
0x56: {  	_ = 	snop  }
0x57: {  	[tilespmem:s13], [sflag:$0x4] =	stream.linear.gather [hbm4b:s12+s2], $0x4000, $0x38;
	[tilespmem:$0x10000] =	vst v63  }
0x58: {  	_ =	swait.ge [sflag:s14], $0x4000  }
0x59: {  	[sflag:s14] =	ssyncset.done $0x0  }
0x5a: {  	[sflag:s14] =	ssyncadd.s32 $0xFFFFC000  }
0x5b: {  	[hbm4b:s15+s2] =	stream.linear.scatter [tilespmem:s9], [sflag:$0x7], $0x4000, $0x38;
	[tilespmem:$0x10000] =	vst v63  }
0x5c: {  	_ =	swait.ge [sflag:s16], $0x4000  }
0x5d: {  	[sflag:s16] =	ssyncset.done $0x0  }
0x5e: {  	[sflag:s16] =	ssyncadd.s32 $0xFFFFC000  }
0x5f: {  	[tilespmem:s2], [sflag:$0x1] =	stream.linear.gather [hbm4b:s17+s2], $0x4000, $0x38;
	[tilespmem:$0x10000] =	vst v63  }
0x60: {  	_ =	swait.ge [sflag:s18], $0x4000  }
0x61: {  	[sflag:s18] =	ssyncset.done $0x0  }
0x62: {  	[sflag:s18] =	ssyncadd.s32 $0xFFFFC000  }
0x63: {  	[hbm4b:s19+s2] =	stream.linear.scatter [tilespmem:s13], [sflag:$0x8], $0x4000, $0x38;
	[tilespmem:$0x10000] =	vst v63  }
0x64: {  	_ =	swait.ge [sflag:s20], $0x4000  }
0x65: {  	[sflag:s20] =	ssyncset.done $0x0  }
0x66: {  	[sflag:s20] =	ssyncadd.s32 $0xFFFFC000  }
0x67: {  	[tilespmem:s5], [sflag:$0x2] =	stream.linear.gather [hbm4b:s21+s2], $0x4000, $0x38;
	[tilespmem:$0x10000] =	vst v63  }
0x68: {  	_ =	swait.ge [sflag:s6], $0x4000  }
0x69: {  	[sflag:s6] =	ssyncset.done $0x0  }
0x6a: {  	[sflag:s6] =	ssyncadd.s32 $0xFFFFC000  }
0x6b: {  	[hbm4b:s22+s2] =	stream.linear.scatter [tilespmem:s2], [sflag:$0x5], $0x4000, $0x38;
	[tilespmem:$0x10000] =	vst v63  }
0x6c: {  	_ =	swait.ge [sflag:s23], $0x4000  }
0x6d: {  	[sflag:s23] =	ssyncset.done $0x0  }
0x6e: {  	[sflag:s23] =	ssyncadd.s32 $0xFFFFC000  }
0x6f: {  	[tilespmem:s9], [sflag:$0x3] =	stream.linear.gather [hbm4b:s24+s2], $0x4000, $0x38;
	[tilespmem:$0x10000] =	vst v63  }
0x70: {  	_ =	swait.ge [sflag:s10], $0x4000  }
0x71: {  	[sflag:s10] =	ssyncset.done $0x0  }
0x72: {  	[sflag:s10] =	ssyncadd.s32 $0xFFFFC000  }
0x73: {  	[hbm4b:s25+s2] =	stream.linear.scatter [tilespmem:s5], [sflag:$0x6], $0x4000, $0x38;
	[tilespmem:$0x10000] =	vst v63  }
0x74: {  	_ =	swait.ge [sflag:s26], $0x4000  }
0x75: {  	[sflag:s26] =	ssyncset.done $0x0  }
0x76: {  	[sflag:s26] =	ssyncadd.s32 $0xFFFFC000  }
0x77: {  	[tilespmem:s13], [sflag:$0x4] =	stream.linear.gather [hbm4b:s28+s2], $0x4000, $0x38;
	[tilespmem:$0x10000] =	vst v63  }
0x78: {  	_ =	swait.ge [sflag:s14], $0x4000  }
0x79: {  	[sflag:s14] =	ssyncset.done $0x0  }
0x7a: {  	[sflag:s14] =	ssyncadd.s32 $0xFFFFC000  }
0x7b: {  	[hbm4b:s29+s2] =	stream.linear.scatter [tilespmem:s9], [sflag:$0x7], $0x4000, $0x38;
	[tilespmem:$0x10000] =	vst v63  }
0x7c: {  	_ =	swait.ge [sflag:s18], $0x4000  }
0x7d: {  	[sflag:s18] =	ssyncset.done $0x0  }
0x7e: {  	[sflag:s18] =	ssyncadd.s32 $0xFFFFC000  }
0x7f: {  	[hbm4b:s30+s2] =	stream.linear.scatter [tilespmem:s13], [sflag:$0x8], $0x4000, $0x38;
	[tilespmem:$0x10000] =	vst v63  }
0x80: {  	_ =	swait.ge [sflag:s16], $0x4000  }
0x81: {  	[sflag:s16] =	ssyncset.done $0x0  }
0x82: {  	[sflag:s16] =	ssyncadd.s32 $0xFFFFC000  }
0x83: {  	_ =	swait.ge [sflag:s20], $0x4000  }
0x84: {  	[sflag:s20] =	ssyncset.done $0x0  }
0x85: {  	[sflag:s20] =	ssyncadd.s32 $0xFFFFC000  }
.Ltmp1:
0x86: {  	_ =	swait.ge [sflag:s23], $0x4000;
	(pc) =	sbr.rel @p0 .LBB2_1-.Ltmp1, $4  }
0x87: {  	[sflag:s23] =	ssyncset.done $0x0  }
0x88: {  	[sflag:s23] =	ssyncadd.s32 $0xFFFFC000  }
0x89: {  	_ =	swait.ge [sflag:s26], $0x4000  }
0x8a: {  	[sflag:s26] =	ssyncset.done $0x0  }
.LBB2_2:
0x8b: {  	[sflag:s26] =	ssyncadd.s32 $0xFFFFC000  }
0x8c: {  	_ =	sfence.sel $0x180000  }
0x8d: {  	[bflag:$0x0] =	sbarrier.arrive $0xFFFF  }
0x8e: {  	_ =	strace $0x90000047  }
0x8f: {  	s0 =	stileid.u32;
	[bflag:$0x2] =	sbarrier.arrive $0xFFFF  }
0x90: {  	p0 =	sne.s32 s0, $0x0;
	s0 =	rddreg [dreg:$0x2]  }
0x91: {  	s0 =	sadd.s32 @!p0 $0x100000, s0  }
0x92: {  	[sflag:s0] =	ssyncadd.tile.s32 @!p0 $0x1;
	_ =	shalt  }
.Lfunc_end2:
_tile_overlayer_lowered:
.L_overlay_start_2:
0x93: {  	(tag) =	ssettag $0x2  }
0x94: {  	s0 =	rddreg [dreg:$0x0];
	s2 =	stileid.u32  }
0x95: {  	s1 =	rddreg [dreg:$0x1];
	p0 =	sne.s32 s2, $0x0  }
0x96: {  	s3 =	rddreg [dreg:$0x2];
	[bflag:$0x3] =	sbarrier.arrive $0xFFFF;
	s2 =	simm.s32 @!p0 $0x1C09  }
0x97: {  	[timem:s3], [sflag:s2] =	dma.local @!p0 [hbm:s0], s1  }
0x98: {  	s0 =	simm.s32 @!p0 $0x9  }
0x99: {  	_ =	swait.ge @!p0 [sflag:s0], s1  }
0x9a: {  	s1 =	ssub.s32 @!p0 $0x0, s1;
	[sflag:s0] =	ssyncset.done @!p0 $0x0  }
0x9b: {  	[sflag:s0] =	ssyncadd.s32 @!p0 s1  }
0x9c: {  	[bflag:$0x3] =	sbarrier.arrive $0xFFFF  }
0x9d: {  	_ =	shalt  }

</sc_bundles>
